<compile_context>
chip_gen: v7x
topology: tpu7x:2x2x1
jax: 0.10.2.dev20260603
libtpu: 0.0.44.dev20260713+nightly
codegen_flags: <defaults>
</compile_context>

<pallas_src>
import functools

import jax
import jax.numpy as jnp
from jax import lax
from jax.experimental import pallas as pl
from jax.experimental.pallas import tpu as pltpu
from jax.experimental.pallas import tpu_sc as plsc

F = 16
B = 4096
D = 64
K = 1024
BETA = 0.25
TB = 4096
DP = 128

NC = 2
NS = 16
NW = NC * NS
FB = F * B
RPW = FB // NW
CH = 128
NCH = RPW // CH
NBUF = 2


def _score_body(x_ref, w_ref, wsq_ref, idx_ref, wt_ref, acc_ref):
    x = x_ref[0]
    w = w_ref[0]
    xsq = jnp.sum(x * x, axis=1, keepdims=True)
    wsq = wsq_ref[0]
    mm2 = jnp.dot(x + x, w, preferred_element_type=jnp.float32)
    scores = (xsq - mm2) + wsq
    minv = jnp.min(scores, axis=1, keepdims=True)
    iota = lax.broadcasted_iota(jnp.int32, (TB, K), 1).astype(jnp.float32)
    cand = jnp.where(scores == minv, iota, float(K))
    idx = jnp.min(cand, axis=1, keepdims=True).astype(jnp.int32)
    f = pl.program_id(0)
    b = pl.program_id(1)
    idx_ref[0] = idx + f * K

    @pl.when(b == 0)
    def _():
        wt_ref[0] = jnp.pad(w.T, ((0, 0), (0, DP - D)))

    tile_sum = jnp.sum(minv).reshape(1, 1)

    @pl.when((f == 0) & (b == 0))
    def _():
        acc_ref[...] = jnp.zeros((1, 1), jnp.float32)

    acc_ref[...] += tile_sum


def _gather_body(table_hbm, idxf_hbm, out_hbm, idx_v, rows_v, sem0, sem1):
    wid = lax.axis_index("s") * NC + lax.axis_index("c")
    base = wid * RPW
    pltpu.sync_copy(idxf_hbm.at[pl.ds(base, RPW)], idx_v)
    sems = (sem0, sem1)

    def fire(i):
        j = i % NBUF
        return pltpu.async_copy(
            table_hbm.at[idx_v.at[pl.ds(i * CH, CH)]], rows_v.at[j], sems[j])

    pending = [fire(0)]
    for i in range(NCH):
        if i + 1 < NCH:
            pending.append(fire(i + 1))
        pending[i].wait()
        pltpu.sync_copy(rows_v.at[i % NBUF, :, pl.ds(0, D)],
                        out_hbm.at[pl.ds(base + i * CH, CH)])


_sc_gather = functools.partial(
    pl.kernel,
    mesh=plsc.VectorSubcoreMesh(core_axis_name="c", subcore_axis_name="s"),
    compiler_params=pltpu.CompilerParams(use_tc_tiling_on_sc=False),
    out_type=jax.ShapeDtypeStruct((FB, D), jnp.float32),
    scratch_types=[
        pltpu.VMEM((RPW,), jnp.int32),
        pltpu.VMEM((NBUF, CH, DP), jnp.float32),
        pltpu.SemaphoreType.DMA,
        pltpu.SemaphoreType.DMA,
    ],
)(_gather_body)


def kernel(inputs, w):
    idx3, wt, acc = pl.pallas_call(
        _score_body,
        grid=(F, B // TB),
        in_specs=[
            pl.BlockSpec((1, TB, D), lambda f, b: (f, b, 0)),
            pl.BlockSpec((1, D, K), lambda f, b: (f, 0, 0)),
            pl.BlockSpec((1, 1, K), lambda f, b: (f, 0, 0)),
        ],
        out_specs=[
            pl.BlockSpec((1, TB, 1), lambda f, b: (f, b, 0)),
            pl.BlockSpec((1, K, DP), lambda f, b: (f, 0, 0)),
            pl.BlockSpec((1, 1), lambda f, b: (0, 0)),
        ],
        out_shape=[
            jax.ShapeDtypeStruct((F, B, 1), jnp.int32),
            jax.ShapeDtypeStruct((F, K, DP), jnp.float32),
            jax.ShapeDtypeStruct((1, 1), jnp.float32),
        ],
    )(inputs, w, jnp.sum(w * w, axis=1, keepdims=True))
    q = _sc_gather(wt.reshape(F * K, DP), idx3.reshape(FB))
    out = q.reshape(F, B, D)
    m = acc[0, 0] / float(F * B * D)
    loss = m + BETA * m
    return (out, loss)

# --- scband reference (transcript-rebuilt; emitter-appended) ---
"""Pipeline reference for scband-vq-vae-58213986730389 (READ-ONLY COPY).

The authoritative reference and input builder live on the scoring server;
editing this copy changes nothing except your own understanding.
"""

import jax, jax.numpy as jnp
import numpy as np

F = 16
B = 4096
D = 64
K = 1024
BETA = 0.25


def setup_inputs(seed: int = 0) -> dict:
    key = jax.random.key(seed)
    k1, k2 = jax.random.split(key)
    inputs = jax.random.normal(k1, (F, B, D), dtype=jnp.float32)
    # GlorotUniform for embeddings of shape [F, D, K]: fan_in=D, fan_out=K
    limit = float(np.sqrt(6.0 / (D + K)))
    w = jax.random.uniform(k2, (F, D, K), minval=-limit, maxval=limit, dtype=jnp.float32)
    return {"inputs": inputs, "w": w}


def reference(inputs, w):
    # distances: [F, B, K]
    distances = (
        jnp.sum(inputs ** 2, axis=2, keepdims=True)
        - 2.0 * jnp.matmul(inputs, w)
        + jnp.sum(w ** 2, axis=1, keepdims=True)
    )
    enc_idx = jnp.argmin(distances, axis=2)  # [F, B]
    wt = jnp.transpose(w, (0, 2, 1))  # [F, K, D]
    quantized = jnp.take_along_axis(wt, enc_idx[:, :, None], axis=1)  # [F, B, D]
    e_latent_loss = jnp.mean((jax.lax.stop_gradient(quantized) - inputs) ** 2)
    q_latent_loss = jnp.mean((quantized - jax.lax.stop_gradient(inputs)) ** 2)
    loss = q_latent_loss + BETA * e_latent_loss
    # straight-through estimator
    output = inputs + jax.lax.stop_gradient(quantized - inputs)
    return (output, loss)

if __name__ == "__main__":
    import jax
    _d = setup_inputs()
    print(jax.jit(kernel)(*tuple(_d.values())))

</pallas_src>

<mosaic_0001>
#map = affine_map<(d0, d1) -> (0, 0)>
#map1 = affine_map<(d0, d1) -> (0)>
module attributes {stable_mosaic.version = 14 : i64} {
  func.func @_gather_body(%arg0: i32, %arg1: i32, %arg2: memref<16384x128xf32, #tpu.memory_space<hbm>>, %arg3: memref<65536xi32, #tpu.memory_space<hbm>>, %arg4: memref<65536x64xf32, #tpu.memory_space<hbm>>, %arg5: memref<2048xi32, #tpu.memory_space<vmem>>, %arg6: memref<2x128x128xf32, #tpu.memory_space<vmem>>, %arg7: memref<!tpu.dma_semaphore, #tpu.memory_space<semaphore_mem>>, %arg8: memref<!tpu.dma_semaphore, #tpu.memory_space<semaphore_mem>>) attributes {dimension_semantics = [#tpu.dimension_semantics<core_parallel>, #tpu.dimension_semantics<subcore_parallel>], iteration_bounds = array<i64: 2, 16>, scalar_prefetch = 0 : i64, scratch_operands = 4 : i64, tpu.core_type = #tpu.core_type<sc_vector_subcore>, window_params = [{transform_indices = #map}, {transform_indices = #map1}, {transform_indices = #map}]} {
    %mul3A = arith.constant 2 : i32
    %mul3A_0 = arith.muli %arg1, %mul3A : i32
    %add3A = arith.addi %mul3A_0, %arg0 : i32
    %mul3A_1 = arith.constant 2048 : i32
    %mul3A_2 = arith.muli %add3A, %mul3A_1 : i32
    "tpu.region"() ({
      %run_scoped3A_368 = tpu.sem_alloc : memref<!tpu.dma_semaphore, #tpu.memory_space<semaphore_mem>>
      %dma_start3A_369 = tpu.memref_slice %arg3[%mul3A_2] : memref<65536xi32, #tpu.memory_space<hbm>> -> memref<2048xi32, #tpu.memory_space<hbm>>
      %dma_start3A_370 = tpu.memref_slice %arg3[%mul3A_2] : memref<65536xi32, #tpu.memory_space<hbm>> -> memref<2048xi32, #tpu.memory_space<hbm>>
      tpu.enqueue_dma source(%dma_start3A_370 : memref<2048xi32, #tpu.memory_space<hbm>>) target(%arg5 : memref<2048xi32, #tpu.memory_space<vmem>>) target_semaphore(%run_scoped3A_368 : memref<!tpu.dma_semaphore, #tpu.memory_space<semaphore_mem>>)
      %dma_wait3A_371 = tpu.memref_slice %arg3[%mul3A_2] : memref<65536xi32, #tpu.memory_space<hbm>> -> memref<2048xi32, #tpu.memory_space<hbm>>
      %dma_wait3A_372 = tpu.memref_slice %arg3[%mul3A_2] : memref<65536xi32, #tpu.memory_space<hbm>> -> memref<2048xi32, #tpu.memory_space<hbm>>
      tpu.wait_dma2 semaphore(%run_scoped3A_368 : memref<!tpu.dma_semaphore, #tpu.memory_space<semaphore_mem>>) src(%dma_wait3A_372 : memref<2048xi32, #tpu.memory_space<hbm>>) dst(%arg5 : memref<2048xi32, #tpu.memory_space<vmem>>)
      tpu.yield
    }) : () -> ()
    %dma_start3A = arith.constant 0 : i32
    %dma_start3A_3 = arith.constant 0 : i32
    %dma_start3A_4 = arith.constant 0 : i32
    %dma_start3A_5 = tpu.memref_slice %arg6[%dma_start3A, %dma_start3A_3, %dma_start3A_4] : memref<2x128x128xf32, #tpu.memory_space<vmem>> -> memref<1x128x128xf32, #tpu.memory_space<vmem>>
    %dma_start3A_6 = tpu.memref_squeeze %dma_start3A_5 : memref<1x128x128xf32, #tpu.memory_space<vmem>> -> memref<128x128xf32, #tpu.memory_space<vmem>>
    %dma_start3A_7 = arith.constant 0 : i32
    %dma_start3A_8 = tpu.memref_slice %arg5[%dma_start3A_7] : memref<2048xi32, #tpu.memory_space<vmem>> -> memref<128xi32, #tpu.memory_space<vmem>>
    %dma_start3A_9 = arith.constant 0 : i32
    %dma_start3A_10 = arith.constant 0 : i32
    %dma_start3A_11 = tpu.memref_slice %arg2[%dma_start3A_9, %dma_start3A_10] : memref<16384x128xf32, #tpu.memory_space<hbm>> -> memref<16384x128xf32, #tpu.memory_space<hbm>>
    tpu.enqueue_indirect_dma source(%dma_start3A_11 : memref<16384x128xf32, #tpu.memory_space<hbm>>) target(%dma_start3A_6 : memref<128x128xf32, #tpu.memory_space<vmem>>) offsets(%dma_start3A_8 : memref<128xi32, #tpu.memory_space<vmem>>) semaphore(%arg7 : memref<!tpu.dma_semaphore, #tpu.memory_space<semaphore_mem>>)
    %dma_start3A_12 = arith.constant 1 : i32
    %dma_start3A_13 = arith.constant 0 : i32
    %dma_start3A_14 = arith.constant 0 : i32
    %dma_start3A_15 = tpu.memref_slice %arg6[%dma_start3A_12, %dma_start3A_13, %dma_start3A_14] : memref<2x128x128xf32, #tpu.memory_space<vmem>> -> memref<1x128x128xf32, #tpu.memory_space<vmem>>
    %dma_start3A_16 = tpu.memref_squeeze %dma_start3A_15 : memref<1x128x128xf32, #tpu.memory_space<vmem>> -> memref<128x128xf32, #tpu.memory_space<vmem>>
    %dma_start3A_17 = arith.constant 128 : i32
    %dma_start3A_18 = tpu.memref_slice %arg5[%dma_start3A_17] : memref<2048xi32, #tpu.memory_space<vmem>> -> memref<128xi32, #tpu.memory_space<vmem>>
    %dma_start3A_19 = arith.constant 0 : i32
    %dma_start3A_20 = arith.constant 0 : i32
    %dma_start3A_21 = tpu.memref_slice %arg2[%dma_start3A_19, %dma_start3A_20] : memref<16384x128xf32, #tpu.memory_space<hbm>> -> memref<16384x128xf32, #tpu.memory_space<hbm>>
    tpu.enqueue_indirect_dma source(%dma_start3A_21 : memref<16384x128xf32, #tpu.memory_space<hbm>>) target(%dma_start3A_16 : memref<128x128xf32, #tpu.memory_space<vmem>>) offsets(%dma_start3A_18 : memref<128xi32, #tpu.memory_space<vmem>>) semaphore(%arg8 : memref<!tpu.dma_semaphore, #tpu.memory_space<semaphore_mem>>)
    %dma_wait3A = arith.constant 0 : i32
    %dma_wait3A_22 = arith.constant 0 : i32
    %dma_wait3A_23 = arith.constant 0 : i32
    %dma_wait3A_24 = tpu.memref_slice %arg6[%dma_wait3A, %dma_wait3A_22, %dma_wait3A_23] : memref<2x128x128xf32, #tpu.memory_space<vmem>> -> memref<1x128x128xf32, #tpu.memory_space<vmem>>
    %dma_wait3A_25 = tpu.memref_squeeze %dma_wait3A_24 : memref<1x128x128xf32, #tpu.memory_space<vmem>> -> memref<128x128xf32, #tpu.memory_space<vmem>>
    %dma_wait3A_26 = arith.constant 0 : i32
    %dma_wait3A_27 = tpu.memref_slice %arg5[%dma_wait3A_26] : memref<2048xi32, #tpu.memory_space<vmem>> -> memref<128xi32, #tpu.memory_space<vmem>>
    %dma_wait3A_28 = arith.constant 0 : i32
    %dma_wait3A_29 = arith.constant 0 : i32
    %dma_wait3A_30 = tpu.memref_slice %arg2[%dma_wait3A_28, %dma_wait3A_29] : memref<16384x128xf32, #tpu.memory_space<hbm>> -> memref<16384x128xf32, #tpu.memory_space<hbm>>
    tpu.wait_indirect_dma semaphore(%arg7 : memref<!tpu.dma_semaphore, #tpu.memory_space<semaphore_mem>>) src(%dma_wait3A_30 : memref<16384x128xf32, #tpu.memory_space<hbm>>) dst(%dma_wait3A_25 : memref<128x128xf32, #tpu.memory_space<vmem>>)
    %add3A_31 = arith.constant 0 : i32
    %add3A_32 = arith.addi %mul3A_2, %add3A_31 : i32
    %run_scoped3A = arith.constant 0 : i32
    "tpu.region"() ({
      %run_scoped3A_368 = tpu.sem_alloc : memref<!tpu.dma_semaphore, #tpu.memory_space<semaphore_mem>>
      %dma_start3A_369 = arith.constant 0 : i32
      %dma_start3A_370 = arith.constant 0 : i32
      %dma_start3A_371 = tpu.memref_slice %arg6[%run_scoped3A, %dma_start3A_369, %dma_start3A_370] : memref<2x128x128xf32, #tpu.memory_space<vmem>> -> memref<1x128x64xf32, #tpu.memory_space<vmem>>
      %dma_start3A_372 = tpu.memref_squeeze %dma_start3A_371 : memref<1x128x64xf32, #tpu.memory_space<vmem>> -> memref<128x64xf32, #tpu.memory_space<vmem>>
      %dma_start3A_373 = arith.constant 0 : i32
      %dma_start3A_374 = tpu.memref_slice %arg4[%add3A_32, %dma_start3A_373] : memref<65536x64xf32, #tpu.memory_space<hbm>> -> memref<128x64xf32, #tpu.memory_space<hbm>>
      %dma_start3A_375 = arith.constant 0 : i32
      %dma_start3A_376 = tpu.memref_slice %arg4[%add3A_32, %dma_start3A_375] : memref<65536x64xf32, #tpu.memory_space<hbm>> -> memref<128x64xf32, #tpu.memory_space<hbm>>
      %dma_start3A_377 = arith.constant 0 : i32
      %dma_start3A_378 = arith.constant 0 : i32
      %dma_start3A_379 = tpu.memref_slice %arg6[%run_scoped3A, %dma_start3A_377, %dma_start3A_378] : memref<2x128x128xf32, #tpu.memory_space<vmem>> -> memref<1x128x64xf32, #tpu.memory_space<vmem>>
      %dma_start3A_380 = tpu.memref_squeeze %dma_start3A_379 : memref<1x128x64xf32, #tpu.memory_space<vmem>> -> memref<128x64xf32, #tpu.memory_space<vmem>>
      tpu.enqueue_dma source(%dma_start3A_380 : memref<128x64xf32, #tpu.memory_space<vmem>>) target(%dma_start3A_376 : memref<128x64xf32, #tpu.memory_space<hbm>>) target_semaphore(%run_scoped3A_368 : memref<!tpu.dma_semaphore, #tpu.memory_space<semaphore_mem>>)
      %dma_wait3A_381 = arith.constant 0 : i32
      %dma_wait3A_382 = arith.constant 0 : i32
      %dma_wait3A_383 = tpu.memref_slice %arg6[%run_scoped3A, %dma_wait3A_381, %dma_wait3A_382] : memref<2x128x128xf32, #tpu.memory_space<vmem>> -> memref<1x128x64xf32, #tpu.memory_space<vmem>>
      %dma_wait3A_384 = tpu.memref_squeeze %dma_wait3A_383 : memref<1x128x64xf32, #tpu.memory_space<vmem>> -> memref<128x64xf32, #tpu.memory_space<vmem>>
      %dma_wait3A_385 = arith.constant 0 : i32
      %dma_wait3A_386 = tpu.memref_slice %arg4[%add3A_32, %dma_wait3A_385] : memref<65536x64xf32, #tpu.memory_space<hbm>> -> memref<128x64xf32, #tpu.memory_space<hbm>>
      %dma_wait3A_387 = arith.constant 0 : i32
      %dma_wait3A_388 = tpu.memref_slice %arg4[%add3A_32, %dma_wait3A_387] : memref<65536x64xf32, #tpu.memory_space<hbm>> -> memref<128x64xf32, #tpu.memory_space<hbm>>
      %dma_wait3A_389 = arith.constant 0 : i32
      %dma_wait3A_390 = arith.constant 0 : i32
      %dma_wait3A_391 = tpu.memref_slice %arg6[%run_scoped3A, %dma_wait3A_389, %dma_wait3A_390] : memref<2x128x128xf32, #tpu.memory_space<vmem>> -> memref<1x128x64xf32, #tpu.memory_space<vmem>>
      %dma_wait3A_392 = tpu.memref_squeeze %dma_wait3A_391 : memref<1x128x64xf32, #tpu.memory_space<vmem>> -> memref<128x64xf32, #tpu.memory_space<vmem>>
      tpu.wait_dma2 semaphore(%run_scoped3A_368 : memref<!tpu.dma_semaphore, #tpu.memory_space<semaphore_mem>>) src(%dma_wait3A_392 : memref<128x64xf32, #tpu.memory_space<vmem>>) dst(%dma_wait3A_388 : memref<128x64xf32, #tpu.memory_space<hbm>>)
      tpu.yield
    }) : () -> ()
    %dma_start3A_33 = arith.constant 0 : i32
    %dma_start3A_34 = arith.constant 0 : i32
    %dma_start3A_35 = arith.constant 0 : i32
    %dma_start3A_36 = tpu.memref_slice %arg6[%dma_start3A_33, %dma_start3A_34, %dma_start3A_35] : memref<2x128x128xf32, #tpu.memory_space<vmem>> -> memref<1x128x128xf32, #tpu.memory_space<vmem>>
    %dma_start3A_37 = tpu.memref_squeeze %dma_start3A_36 : memref<1x128x128xf32, #tpu.memory_space<vmem>> -> memref<128x128xf32, #tpu.memory_space<vmem>>
    %dma_start3A_38 = arith.constant 256 : i32
    %dma_start3A_39 = tpu.memref_slice %arg5[%dma_start3A_38] : memref<2048xi32, #tpu.memory_space<vmem>> -> memref<128xi32, #tpu.memory_space<vmem>>
    %dma_start3A_40 = arith.constant 0 : i32
    %dma_start3A_41 = arith.constant 0 : i32
    %dma_start3A_42 = tpu.memref_slice %arg2[%dma_start3A_40, %dma_start3A_41] : memref<16384x128xf32, #tpu.memory_space<hbm>> -> memref<16384x128xf32, #tpu.memory_space<hbm>>
    tpu.enqueue_indirect_dma source(%dma_start3A_42 : memref<16384x128xf32, #tpu.memory_space<hbm>>) target(%dma_start3A_37 : memref<128x128xf32, #tpu.memory_space<vmem>>) offsets(%dma_start3A_39 : memref<128xi32, #tpu.memory_space<vmem>>) semaphore(%arg7 : memref<!tpu.dma_semaphore, #tpu.memory_space<semaphore_mem>>)
    %dma_wait3A_43 = arith.constant 1 : i32
    %dma_wait3A_44 = arith.constant 0 : i32
    %dma_wait3A_45 = arith.constant 0 : i32
    %dma_wait3A_46 = tpu.memref_slice %arg6[%dma_wait3A_43, %dma_wait3A_44, %dma_wait3A_45] : memref<2x128x128xf32, #tpu.memory_space<vmem>> -> memref<1x128x128xf32, #tpu.memory_space<vmem>>
    %dma_wait3A_47 = tpu.memref_squeeze %dma_wait3A_46 : memref<1x128x128xf32, #tpu.memory_space<vmem>> -> memref<128x128xf32, #tpu.memory_space<vmem>>
    %dma_wait3A_48 = arith.constant 128 : i32
    %dma_wait3A_49 = tpu.memref_slice %arg5[%dma_wait3A_48] : memref<2048xi32, #tpu.memory_space<vmem>> -> memref<128xi32, #tpu.memory_space<vmem>>
    %dma_wait3A_50 = arith.constant 0 : i32
    %dma_wait3A_51 = arith.constant 0 : i32
    %dma_wait3A_52 = tpu.memref_slice %arg2[%dma_wait3A_50, %dma_wait3A_51] : memref<16384x128xf32, #tpu.memory_space<hbm>> -> memref<16384x128xf32, #tpu.memory_space<hbm>>
    tpu.wait_indirect_dma semaphore(%arg8 : memref<!tpu.dma_semaphore, #tpu.memory_space<semaphore_mem>>) src(%dma_wait3A_52 : memref<16384x128xf32, #tpu.memory_space<hbm>>) dst(%dma_wait3A_47 : memref<128x128xf32, #tpu.memory_space<vmem>>)
    %add3A_53 = arith.constant 128 : i32
    %add3A_54 = arith.addi %mul3A_2, %add3A_53 : i32
    %run_scoped3A_55 = arith.constant 1 : i32
    "tpu.region"() ({
      %run_scoped3A_368 = tpu.sem_alloc : memref<!tpu.dma_semaphore, #tpu.memory_space<semaphore_mem>>
      %dma_start3A_369 = arith.constant 0 : i32
      %dma_start3A_370 = arith.constant 0 : i32
      %dma_start3A_371 = tpu.memref_slice %arg6[%run_scoped3A_55, %dma_start3A_369, %dma_start3A_370] : memref<2x128x128xf32, #tpu.memory_space<vmem>> -> memref<1x128x64xf32, #tpu.memory_space<vmem>>
      %dma_start3A_372 = tpu.memref_squeeze %dma_start3A_371 : memref<1x128x64xf32, #tpu.memory_space<vmem>> -> memref<128x64xf32, #tpu.memory_space<vmem>>
      %dma_start3A_373 = arith.constant 0 : i32
      %dma_start3A_374 = tpu.memref_slice %arg4[%add3A_54, %dma_start3A_373] : memref<65536x64xf32, #tpu.memory_space<hbm>> -> memref<128x64xf32, #tpu.memory_space<hbm>>
      %dma_start3A_375 = arith.constant 0 : i32
      %dma_start3A_376 = tpu.memref_slice %arg4[%add3A_54, %dma_start3A_375] : memref<65536x64xf32, #tpu.memory_space<hbm>> -> memref<128x64xf32, #tpu.memory_space<hbm>>
      %dma_start3A_377 = arith.constant 0 : i32
      %dma_start3A_378 = arith.constant 0 : i32
      %dma_start3A_379 = tpu.memref_slice %arg6[%run_scoped3A_55, %dma_start3A_377, %dma_start3A_378] : memref<2x128x128xf32, #tpu.memory_space<vmem>> -> memref<1x128x64xf32, #tpu.memory_space<vmem>>
      %dma_start3A_380 = tpu.memref_squeeze %dma_start3A_379 : memref<1x128x64xf32, #tpu.memory_space<vmem>> -> memref<128x64xf32, #tpu.memory_space<vmem>>
      tpu.enqueue_dma source(%dma_start3A_380 : memref<128x64xf32, #tpu.memory_space<vmem>>) target(%dma_start3A_376 : memref<128x64xf32, #tpu.memory_space<hbm>>) target_semaphore(%run_scoped3A_368 : memref<!tpu.dma_semaphore, #tpu.memory_space<semaphore_mem>>)
      %dma_wait3A_381 = arith.constant 0 : i32
      %dma_wait3A_382 = arith.constant 0 : i32
      %dma_wait3A_383 = tpu.memref_slice %arg6[%run_scoped3A_55, %dma_wait3A_381, %dma_wait3A_382] : memref<2x128x128xf32, #tpu.memory_space<vmem>> -> memref<1x128x64xf32, #tpu.memory_space<vmem>>
      %dma_wait3A_384 = tpu.memref_squeeze %dma_wait3A_383 : memref<1x128x64xf32, #tpu.memory_space<vmem>> -> memref<128x64xf32, #tpu.memory_space<vmem>>
      %dma_wait3A_385 = arith.constant 0 : i32
      %dma_wait3A_386 = tpu.memref_slice %arg4[%add3A_54, %dma_wait3A_385] : memref<65536x64xf32, #tpu.memory_space<hbm>> -> memref<128x64xf32, #tpu.memory_space<hbm>>
      %dma_wait3A_387 = arith.constant 0 : i32
      %dma_wait3A_388 = tpu.memref_slice %arg4[%add3A_54, %dma_wait3A_387] : memref<65536x64xf32, #tpu.memory_space<hbm>> -> memref<128x64xf32, #tpu.memory_space<hbm>>
      %dma_wait3A_389 = arith.constant 0 : i32
      %dma_wait3A_390 = arith.constant 0 : i32
      %dma_wait3A_391 = tpu.memref_slice %arg6[%run_scoped3A_55, %dma_wait3A_389, %dma_wait3A_390] : memref<2x128x128xf32, #tpu.memory_space<vmem>> -> memref<1x128x64xf32, #tpu.memory_space<vmem>>
      %dma_wait3A_392 = tpu.memref_squeeze %dma_wait3A_391 : memref<1x128x64xf32, #tpu.memory_space<vmem>> -> memref<128x64xf32, #tpu.memory_space<vmem>>
      tpu.wait_dma2 semaphore(%run_scoped3A_368 : memref<!tpu.dma_semaphore, #tpu.memory_space<semaphore_mem>>) src(%dma_wait3A_392 : memref<128x64xf32, #tpu.memory_space<vmem>>) dst(%dma_wait3A_388 : memref<128x64xf32, #tpu.memory_space<hbm>>)
      tpu.yield
    }) : () -> ()
    %dma_start3A_56 = arith.constant 1 : i32
    %dma_start3A_57 = arith.constant 0 : i32
    %dma_start3A_58 = arith.constant 0 : i32
    %dma_start3A_59 = tpu.memref_slice %arg6[%dma_start3A_56, %dma_start3A_57, %dma_start3A_58] : memref<2x128x128xf32, #tpu.memory_space<vmem>> -> memref<1x128x128xf32, #tpu.memory_space<vmem>>
    %dma_start3A_60 = tpu.memref_squeeze %dma_start3A_59 : memref<1x128x128xf32, #tpu.memory_space<vmem>> -> memref<128x128xf32, #tpu.memory_space<vmem>>
    %dma_start3A_61 = arith.constant 384 : i32
    %dma_start3A_62 = tpu.memref_slice %arg5[%dma_start3A_61] : memref<2048xi32, #tpu.memory_space<vmem>> -> memref<128xi32, #tpu.memory_space<vmem>>
    %dma_start3A_63 = arith.constant 0 : i32
    %dma_start3A_64 = arith.constant 0 : i32
    %dma_start3A_65 = tpu.memref_slice %arg2[%dma_start3A_63, %dma_start3A_64] : memref<16384x128xf32, #tpu.memory_space<hbm>> -> memref<16384x128xf32, #tpu.memory_space<hbm>>
    tpu.enqueue_indirect_dma source(%dma_start3A_65 : memref<16384x128xf32, #tpu.memory_space<hbm>>) target(%dma_start3A_60 : memref<128x128xf32, #tpu.memory_space<vmem>>) offsets(%dma_start3A_62 : memref<128xi32, #tpu.memory_space<vmem>>) semaphore(%arg8 : memref<!tpu.dma_semaphore, #tpu.memory_space<semaphore_mem>>)
    %dma_wait3A_66 = arith.constant 0 : i32
    %dma_wait3A_67 = arith.constant 0 : i32
    %dma_wait3A_68 = arith.constant 0 : i32
    %dma_wait3A_69 = tpu.memref_slice %arg6[%dma_wait3A_66, %dma_wait3A_67, %dma_wait3A_68] : memref<2x128x128xf32, #tpu.memory_space<vmem>> -> memref<1x128x128xf32, #tpu.memory_space<vmem>>
    %dma_wait3A_70 = tpu.memref_squeeze %dma_wait3A_69 : memref<1x128x128xf32, #tpu.memory_space<vmem>> -> memref<128x128xf32, #tpu.memory_space<vmem>>
    %dma_wait3A_71 = arith.constant 256 : i32
    %dma_wait3A_72 = tpu.memref_slice %arg5[%dma_wait3A_71] : memref<2048xi32, #tpu.memory_space<vmem>> -> memref<128xi32, #tpu.memory_space<vmem>>
    %dma_wait3A_73 = arith.constant 0 : i32
    %dma_wait3A_74 = arith.constant 0 : i32
    %dma_wait3A_75 = tpu.memref_slice %arg2[%dma_wait3A_73, %dma_wait3A_74] : memref<16384x128xf32, #tpu.memory_space<hbm>> -> memref<16384x128xf32, #tpu.memory_space<hbm>>
    tpu.wait_indirect_dma semaphore(%arg7 : memref<!tpu.dma_semaphore, #tpu.memory_space<semaphore_mem>>) src(%dma_wait3A_75 : memref<16384x128xf32, #tpu.memory_space<hbm>>) dst(%dma_wait3A_70 : memref<128x128xf32, #tpu.memory_space<vmem>>)
    %add3A_76 = arith.constant 256 : i32
    %add3A_77 = arith.addi %mul3A_2, %add3A_76 : i32
    %run_scoped3A_78 = arith.constant 0 : i32
    "tpu.region"() ({
      %run_scoped3A_368 = tpu.sem_alloc : memref<!tpu.dma_semaphore, #tpu.memory_space<semaphore_mem>>
      %dma_start3A_369 = arith.constant 0 : i32
      %dma_start3A_370 = arith.constant 0 : i32
      %dma_start3A_371 = tpu.memref_slice %arg6[%run_scoped3A_78, %dma_start3A_369, %dma_start3A_370] : memref<2x128x128xf32, #tpu.memory_space<vmem>> -> memref<1x128x64xf32, #tpu.memory_space<vmem>>
      %dma_start3A_372 = tpu.memref_squeeze %dma_start3A_371 : memref<1x128x64xf32, #tpu.memory_space<vmem>> -> memref<128x64xf32, #tpu.memory_space<vmem>>
      %dma_start3A_373 = arith.constant 0 : i32
      %dma_start3A_374 = tpu.memref_slice %arg4[%add3A_77, %dma_start3A_373] : memref<65536x64xf32, #tpu.memory_space<hbm>> -> memref<128x64xf32, #tpu.memory_space<hbm>>
      %dma_start3A_375 = arith.constant 0 : i32
      %dma_start3A_376 = tpu.memref_slice %arg4[%add3A_77, %dma_start3A_375] : memref<65536x64xf32, #tpu.memory_space<hbm>> -> memref<128x64xf32, #tpu.memory_space<hbm>>
      %dma_start3A_377 = arith.constant 0 : i32
      %dma_start3A_378 = arith.constant 0 : i32
      %dma_start3A_379 = tpu.memref_slice %arg6[%run_scoped3A_78, %dma_start3A_377, %dma_start3A_378] : memref<2x128x128xf32, #tpu.memory_space<vmem>> -> memref<1x128x64xf32, #tpu.memory_space<vmem>>
      %dma_start3A_380 = tpu.memref_squeeze %dma_start3A_379 : memref<1x128x64xf32, #tpu.memory_space<vmem>> -> memref<128x64xf32, #tpu.memory_space<vmem>>
      tpu.enqueue_dma source(%dma_start3A_380 : memref<128x64xf32, #tpu.memory_space<vmem>>) target(%dma_start3A_376 : memref<128x64xf32, #tpu.memory_space<hbm>>) target_semaphore(%run_scoped3A_368 : memref<!tpu.dma_semaphore, #tpu.memory_space<semaphore_mem>>)
      %dma_wait3A_381 = arith.constant 0 : i32
      %dma_wait3A_382 = arith.constant 0 : i32
      %dma_wait3A_383 = tpu.memref_slice %arg6[%run_scoped3A_78, %dma_wait3A_381, %dma_wait3A_382] : memref<2x128x128xf32, #tpu.memory_space<vmem>> -> memref<1x128x64xf32, #tpu.memory_space<vmem>>
      %dma_wait3A_384 = tpu.memref_squeeze %dma_wait3A_383 : memref<1x128x64xf32, #tpu.memory_space<vmem>> -> memref<128x64xf32, #tpu.memory_space<vmem>>
      %dma_wait3A_385 = arith.constant 0 : i32
      %dma_wait3A_386 = tpu.memref_slice %arg4[%add3A_77, %dma_wait3A_385] : memref<65536x64xf32, #tpu.memory_space<hbm>> -> memref<128x64xf32, #tpu.memory_space<hbm>>
      %dma_wait3A_387 = arith.constant 0 : i32
      %dma_wait3A_388 = tpu.memref_slice %arg4[%add3A_77, %dma_wait3A_387] : memref<65536x64xf32, #tpu.memory_space<hbm>> -> memref<128x64xf32, #tpu.memory_space<hbm>>
      %dma_wait3A_389 = arith.constant 0 : i32
      %dma_wait3A_390 = arith.constant 0 : i32
      %dma_wait3A_391 = tpu.memref_slice %arg6[%run_scoped3A_78, %dma_wait3A_389, %dma_wait3A_390] : memref<2x128x128xf32, #tpu.memory_space<vmem>> -> memref<1x128x64xf32, #tpu.memory_space<vmem>>
      %dma_wait3A_392 = tpu.memref_squeeze %dma_wait3A_391 : memref<1x128x64xf32, #tpu.memory_space<vmem>> -> memref<128x64xf32, #tpu.memory_space<vmem>>
      tpu.wait_dma2 semaphore(%run_scoped3A_368 : memref<!tpu.dma_semaphore, #tpu.memory_space<semaphore_mem>>) src(%dma_wait3A_392 : memref<128x64xf32, #tpu.memory_space<vmem>>) dst(%dma_wait3A_388 : memref<128x64xf32, #tpu.memory_space<hbm>>)
      tpu.yield
    }) : () -> ()
    %dma_start3A_79 = arith.constant 0 : i32
    %dma_start3A_80 = arith.constant 0 : i32
    %dma_start3A_81 = arith.constant 0 : i32
    %dma_start3A_82 = tpu.memref_slice %arg6[%dma_start3A_79, %dma_start3A_80, %dma_start3A_81] : memref<2x128x128xf32, #tpu.memory_space<vmem>> -> memref<1x128x128xf32, #tpu.memory_space<vmem>>
    %dma_start3A_83 = tpu.memref_squeeze %dma_start3A_82 : memref<1x128x128xf32, #tpu.memory_space<vmem>> -> memref<128x128xf32, #tpu.memory_space<vmem>>
    %dma_start3A_84 = arith.constant 512 : i32
    %dma_start3A_85 = tpu.memref_slice %arg5[%dma_start3A_84] : memref<2048xi32, #tpu.memory_space<vmem>> -> memref<128xi32, #tpu.memory_space<vmem>>
    %dma_start3A_86 = arith.constant 0 : i32
    %dma_start3A_87 = arith.constant 0 : i32
    %dma_start3A_88 = tpu.memref_slice %arg2[%dma_start3A_86, %dma_start3A_87] : memref<16384x128xf32, #tpu.memory_space<hbm>> -> memref<16384x128xf32, #tpu.memory_space<hbm>>
    tpu.enqueue_indirect_dma source(%dma_start3A_88 : memref<16384x128xf32, #tpu.memory_space<hbm>>) target(%dma_start3A_83 : memref<128x128xf32, #tpu.memory_space<vmem>>) offsets(%dma_start3A_85 : memref<128xi32, #tpu.memory_space<vmem>>) semaphore(%arg7 : memref<!tpu.dma_semaphore, #tpu.memory_space<semaphore_mem>>)
    %dma_wait3A_89 = arith.constant 1 : i32
    %dma_wait3A_90 = arith.constant 0 : i32
    %dma_wait3A_91 = arith.constant 0 : i32
    %dma_wait3A_92 = tpu.memref_slice %arg6[%dma_wait3A_89, %dma_wait3A_90, %dma_wait3A_91] : memref<2x128x128xf32, #tpu.memory_space<vmem>> -> memref<1x128x128xf32, #tpu.memory_space<vmem>>
    %dma_wait3A_93 = tpu.memref_squeeze %dma_wait3A_92 : memref<1x128x128xf32, #tpu.memory_space<vmem>> -> memref<128x128xf32, #tpu.memory_space<vmem>>
    %dma_wait3A_94 = arith.constant 384 : i32
    %dma_wait3A_95 = tpu.memref_slice %arg5[%dma_wait3A_94] : memref<2048xi32, #tpu.memory_space<vmem>> -> memref<128xi32, #tpu.memory_space<vmem>>
    %dma_wait3A_96 = arith.constant 0 : i32
    %dma_wait3A_97 = arith.constant 0 : i32
    %dma_wait3A_98 = tpu.memref_slice %arg2[%dma_wait3A_96, %dma_wait3A_97] : memref<16384x128xf32, #tpu.memory_space<hbm>> -> memref<16384x128xf32, #tpu.memory_space<hbm>>
    tpu.wait_indirect_dma semaphore(%arg8 : memref<!tpu.dma_semaphore, #tpu.memory_space<semaphore_mem>>) src(%dma_wait3A_98 : memref<16384x128xf32, #tpu.memory_space<hbm>>) dst(%dma_wait3A_93 : memref<128x128xf32, #tpu.memory_space<vmem>>)
    %add3A_99 = arith.constant 384 : i32
    %add3A_100 = arith.addi %mul3A_2, %add3A_99 : i32
    %run_scoped3A_101 = arith.constant 1 : i32
    "tpu.region"() ({
      %run_scoped3A_368 = tpu.sem_alloc : memref<!tpu.dma_semaphore, #tpu.memory_space<semaphore_mem>>
      %dma_start3A_369 = arith.constant 0 : i32
      %dma_start3A_370 = arith.constant 0 : i32
      %dma_start3A_371 = tpu.memref_slice %arg6[%run_scoped3A_101, %dma_start3A_369, %dma_start3A_370] : memref<2x128x128xf32, #tpu.memory_space<vmem>> -> memref<1x128x64xf32, #tpu.memory_space<vmem>>
      %dma_start3A_372 = tpu.memref_squeeze %dma_start3A_371 : memref<1x128x64xf32, #tpu.memory_space<vmem>> -> memref<128x64xf32, #tpu.memory_space<vmem>>
      %dma_start3A_373 = arith.constant 0 : i32
      %dma_start3A_374 = tpu.memref_slice %arg4[%add3A_100, %dma_start3A_373] : memref<65536x64xf32, #tpu.memory_space<hbm>> -> memref<128x64xf32, #tpu.memory_space<hbm>>
      %dma_start3A_375 = arith.constant 0 : i32
      %dma_start3A_376 = tpu.memref_slice %arg4[%add3A_100, %dma_start3A_375] : memref<65536x64xf32, #tpu.memory_space<hbm>> -> memref<128x64xf32, #tpu.memory_space<hbm>>
      %dma_start3A_377 = arith.constant 0 : i32
      %dma_start3A_378 = arith.constant 0 : i32
      %dma_start3A_379 = tpu.memref_slice %arg6[%run_scoped3A_101, %dma_start3A_377, %dma_start3A_378] : memref<2x128x128xf32, #tpu.memory_space<vmem>> -> memref<1x128x64xf32, #tpu.memory_space<vmem>>
      %dma_start3A_380 = tpu.memref_squeeze %dma_start3A_379 : memref<1x128x64xf32, #tpu.memory_space<vmem>> -> memref<128x64xf32, #tpu.memory_space<vmem>>
      tpu.enqueue_dma source(%dma_start3A_380 : memref<128x64xf32, #tpu.memory_space<vmem>>) target(%dma_start3A_376 : memref<128x64xf32, #tpu.memory_space<hbm>>) target_semaphore(%run_scoped3A_368 : memref<!tpu.dma_semaphore, #tpu.memory_space<semaphore_mem>>)
      %dma_wait3A_381 = arith.constant 0 : i32
      %dma_wait3A_382 = arith.constant 0 : i32
      %dma_wait3A_383 = tpu.memref_slice %arg6[%run_scoped3A_101, %dma_wait3A_381, %dma_wait3A_382] : memref<2x128x128xf32, #tpu.memory_space<vmem>> -> memref<1x128x64xf32, #tpu.memory_space<vmem>>
      %dma_wait3A_384 = tpu.memref_squeeze %dma_wait3A_383 : memref<1x128x64xf32, #tpu.memory_space<vmem>> -> memref<128x64xf32, #tpu.memory_space<vmem>>
      %dma_wait3A_385 = arith.constant 0 : i32
      %dma_wait3A_386 = tpu.memref_slice %arg4[%add3A_100, %dma_wait3A_385] : memref<65536x64xf32, #tpu.memory_space<hbm>> -> memref<128x64xf32, #tpu.memory_space<hbm>>
      %dma_wait3A_387 = arith.constant 0 : i32
      %dma_wait3A_388 = tpu.memref_slice %arg4[%add3A_100, %dma_wait3A_387] : memref<65536x64xf32, #tpu.memory_space<hbm>> -> memref<128x64xf32, #tpu.memory_space<hbm>>
      %dma_wait3A_389 = arith.constant 0 : i32
      %dma_wait3A_390 = arith.constant 0 : i32
      %dma_wait3A_391 = tpu.memref_slice %arg6[%run_scoped3A_101, %dma_wait3A_389, %dma_wait3A_390] : memref<2x128x128xf32, #tpu.memory_space<vmem>> -> memref<1x128x64xf32, #tpu.memory_space<vmem>>
      %dma_wait3A_392 = tpu.memref_squeeze %dma_wait3A_391 : memref<1x128x64xf32, #tpu.memory_space<vmem>> -> memref<128x64xf32, #tpu.memory_space<vmem>>
      tpu.wait_dma2 semaphore(%run_scoped3A_368 : memref<!tpu.dma_semaphore, #tpu.memory_space<semaphore_mem>>) src(%dma_wait3A_392 : memref<128x64xf32, #tpu.memory_space<vmem>>) dst(%dma_wait3A_388 : memref<128x64xf32, #tpu.memory_space<hbm>>)
      tpu.yield
    }) : () -> ()
    %dma_start3A_102 = arith.constant 1 : i32
    %dma_start3A_103 = arith.constant 0 : i32
    %dma_start3A_104 = arith.constant 0 : i32
    %dma_start3A_105 = tpu.memref_slice %arg6[%dma_start3A_102, %dma_start3A_103, %dma_start3A_104] : memref<2x128x128xf32, #tpu.memory_space<vmem>> -> memref<1x128x128xf32, #tpu.memory_space<vmem>>
    %dma_start3A_106 = tpu.memref_squeeze %dma_start3A_105 : memref<1x128x128xf32, #tpu.memory_space<vmem>> -> memref<128x128xf32, #tpu.memory_space<vmem>>
    %dma_start3A_107 = arith.constant 640 : i32
    %dma_start3A_108 = tpu.memref_slice %arg5[%dma_start3A_107] : memref<2048xi32, #tpu.memory_space<vmem>> -> memref<128xi32, #tpu.memory_space<vmem>>
    %dma_start3A_109 = arith.constant 0 : i32
    %dma_start3A_110 = arith.constant 0 : i32
    %dma_start3A_111 = tpu.memref_slice %arg2[%dma_start3A_109, %dma_start3A_110] : memref<16384x128xf32, #tpu.memory_space<hbm>> -> memref<16384x128xf32, #tpu.memory_space<hbm>>
    tpu.enqueue_indirect_dma source(%dma_start3A_111 : memref<16384x128xf32, #tpu.memory_space<hbm>>) target(%dma_start3A_106 : memref<128x128xf32, #tpu.memory_space<vmem>>) offsets(%dma_start3A_108 : memref<128xi32, #tpu.memory_space<vmem>>) semaphore(%arg8 : memref<!tpu.dma_semaphore, #tpu.memory_space<semaphore_mem>>)
    %dma_wait3A_112 = arith.constant 0 : i32
    %dma_wait3A_113 = arith.constant 0 : i32
    %dma_wait3A_114 = arith.constant 0 : i32
    %dma_wait3A_115 = tpu.memref_slice %arg6[%dma_wait3A_112, %dma_wait3A_113, %dma_wait3A_114] : memref<2x128x128xf32, #tpu.memory_space<vmem>> -> memref<1x128x128xf32, #tpu.memory_space<vmem>>
    %dma_wait3A_116 = tpu.memref_squeeze %dma_wait3A_115 : memref<1x128x128xf32, #tpu.memory_space<vmem>> -> memref<128x128xf32, #tpu.memory_space<vmem>>
    %dma_wait3A_117 = arith.constant 512 : i32
    %dma_wait3A_118 = tpu.memref_slice %arg5[%dma_wait3A_117] : memref<2048xi32, #tpu.memory_space<vmem>> -> memref<128xi32, #tpu.memory_space<vmem>>
    %dma_wait3A_119 = arith.constant 0 : i32
    %dma_wait3A_120 = arith.constant 0 : i32
    %dma_wait3A_121 = tpu.memref_slice %arg2[%dma_wait3A_119, %dma_wait3A_120] : memref<16384x128xf32, #tpu.memory_space<hbm>> -> memref<16384x128xf32, #tpu.memory_space<hbm>>
    tpu.wait_indirect_dma semaphore(%arg7 : memref<!tpu.dma_semaphore, #tpu.memory_space<semaphore_mem>>) src(%dma_wait3A_121 : memref<16384x128xf32, #tpu.memory_space<hbm>>) dst(%dma_wait3A_116 : memref<128x128xf32, #tpu.memory_space<vmem>>)
    %add3A_122 = arith.constant 512 : i32
    %add3A_123 = arith.addi %mul3A_2, %add3A_122 : i32
    %run_scoped3A_124 = arith.constant 0 : i32
    "tpu.region"() ({
      %run_scoped3A_368 = tpu.sem_alloc : memref<!tpu.dma_semaphore, #tpu.memory_space<semaphore_mem>>
      %dma_start3A_369 = arith.constant 0 : i32
      %dma_start3A_370 = arith.constant 0 : i32
      %dma_start3A_371 = tpu.memref_slice %arg6[%run_scoped3A_124, %dma_start3A_369, %dma_start3A_370] : memref<2x128x128xf32, #tpu.memory_space<vmem>> -> memref<1x128x64xf32, #tpu.memory_space<vmem>>
      %dma_start3A_372 = tpu.memref_squeeze %dma_start3A_371 : memref<1x128x64xf32, #tpu.memory_space<vmem>> -> memref<128x64xf32, #tpu.memory_space<vmem>>
      %dma_start3A_373 = arith.constant 0 : i32
      %dma_start3A_374 = tpu.memref_slice %arg4[%add3A_123, %dma_start3A_373] : memref<65536x64xf32, #tpu.memory_space<hbm>> -> memref<128x64xf32, #tpu.memory_space<hbm>>
      %dma_start3A_375 = arith.constant 0 : i32
      %dma_start3A_376 = tpu.memref_slice %arg4[%add3A_123, %dma_start3A_375] : memref<65536x64xf32, #tpu.memory_space<hbm>> -> memref<128x64xf32, #tpu.memory_space<hbm>>
      %dma_start3A_377 = arith.constant 0 : i32
      %dma_start3A_378 = arith.constant 0 : i32
      %dma_start3A_379 = tpu.memref_slice %arg6[%run_scoped3A_124, %dma_start3A_377, %dma_start3A_378] : memref<2x128x128xf32, #tpu.memory_space<vmem>> -> memref<1x128x64xf32, #tpu.memory_space<vmem>>
      %dma_start3A_380 = tpu.memref_squeeze %dma_start3A_379 : memref<1x128x64xf32, #tpu.memory_space<vmem>> -> memref<128x64xf32, #tpu.memory_space<vmem>>
      tpu.enqueue_dma source(%dma_start3A_380 : memref<128x64xf32, #tpu.memory_space<vmem>>) target(%dma_start3A_376 : memref<128x64xf32, #tpu.memory_space<hbm>>) target_semaphore(%run_scoped3A_368 : memref<!tpu.dma_semaphore, #tpu.memory_space<semaphore_mem>>)
      %dma_wait3A_381 = arith.constant 0 : i32
      %dma_wait3A_382 = arith.constant 0 : i32
      %dma_wait3A_383 = tpu.memref_slice %arg6[%run_scoped3A_124, %dma_wait3A_381, %dma_wait3A_382] : memref<2x128x128xf32, #tpu.memory_space<vmem>> -> memref<1x128x64xf32, #tpu.memory_space<vmem>>
      %dma_wait3A_384 = tpu.memref_squeeze %dma_wait3A_383 : memref<1x128x64xf32, #tpu.memory_space<vmem>> -> memref<128x64xf32, #tpu.memory_space<vmem>>
      %dma_wait3A_385 = arith.constant 0 : i32
      %dma_wait3A_386 = tpu.memref_slice %arg4[%add3A_123, %dma_wait3A_385] : memref<65536x64xf32, #tpu.memory_space<hbm>> -> memref<128x64xf32, #tpu.memory_space<hbm>>
      %dma_wait3A_387 = arith.constant 0 : i32
      %dma_wait3A_388 = tpu.memref_slice %arg4[%add3A_123, %dma_wait3A_387] : memref<65536x64xf32, #tpu.memory_space<hbm>> -> memref<128x64xf32, #tpu.memory_space<hbm>>
      %dma_wait3A_389 = arith.constant 0 : i32
      %dma_wait3A_390 = arith.constant 0 : i32
      %dma_wait3A_391 = tpu.memref_slice %arg6[%run_scoped3A_124, %dma_wait3A_389, %dma_wait3A_390] : memref<2x128x128xf32, #tpu.memory_space<vmem>> -> memref<1x128x64xf32, #tpu.memory_space<vmem>>
      %dma_wait3A_392 = tpu.memref_squeeze %dma_wait3A_391 : memref<1x128x64xf32, #tpu.memory_space<vmem>> -> memref<128x64xf32, #tpu.memory_space<vmem>>
      tpu.wait_dma2 semaphore(%run_scoped3A_368 : memref<!tpu.dma_semaphore, #tpu.memory_space<semaphore_mem>>) src(%dma_wait3A_392 : memref<128x64xf32, #tpu.memory_space<vmem>>) dst(%dma_wait3A_388 : memref<128x64xf32, #tpu.memory_space<hbm>>)
      tpu.yield
    }) : () -> ()
    %dma_start3A_125 = arith.constant 0 : i32
    %dma_start3A_126 = arith.constant 0 : i32
    %dma_start3A_127 = arith.constant 0 : i32
    %dma_start3A_128 = tpu.memref_slice %arg6[%dma_start3A_125, %dma_start3A_126, %dma_start3A_127] : memref<2x128x128xf32, #tpu.memory_space<vmem>> -> memref<1x128x128xf32, #tpu.memory_space<vmem>>
    %dma_start3A_129 = tpu.memref_squeeze %dma_start3A_128 : memref<1x128x128xf32, #tpu.memory_space<vmem>> -> memref<128x128xf32, #tpu.memory_space<vmem>>
    %dma_start3A_130 = arith.constant 768 : i32
    %dma_start3A_131 = tpu.memref_slice %arg5[%dma_start3A_130] : memref<2048xi32, #tpu.memory_space<vmem>> -> memref<128xi32, #tpu.memory_space<vmem>>
    %dma_start3A_132 = arith.constant 0 : i32
    %dma_start3A_133 = arith.constant 0 : i32
    %dma_start3A_134 = tpu.memref_slice %arg2[%dma_start3A_132, %dma_start3A_133] : memref<16384x128xf32, #tpu.memory_space<hbm>> -> memref<16384x128xf32, #tpu.memory_space<hbm>>
    tpu.enqueue_indirect_dma source(%dma_start3A_134 : memref<16384x128xf32, #tpu.memory_space<hbm>>) target(%dma_start3A_129 : memref<128x128xf32, #tpu.memory_space<vmem>>) offsets(%dma_start3A_131 : memref<128xi32, #tpu.memory_space<vmem>>) semaphore(%arg7 : memref<!tpu.dma_semaphore, #tpu.memory_space<semaphore_mem>>)
    %dma_wait3A_135 = arith.constant 1 : i32
    %dma_wait3A_136 = arith.constant 0 : i32
    %dma_wait3A_137 = arith.constant 0 : i32
    %dma_wait3A_138 = tpu.memref_slice %arg6[%dma_wait3A_135, %dma_wait3A_136, %dma_wait3A_137] : memref<2x128x128xf32, #tpu.memory_space<vmem>> -> memref<1x128x128xf32, #tpu.memory_space<vmem>>
    %dma_wait3A_139 = tpu.memref_squeeze %dma_wait3A_138 : memref<1x128x128xf32, #tpu.memory_space<vmem>> -> memref<128x128xf32, #tpu.memory_space<vmem>>
    %dma_wait3A_140 = arith.constant 640 : i32
    %dma_wait3A_141 = tpu.memref_slice %arg5[%dma_wait3A_140] : memref<2048xi32, #tpu.memory_space<vmem>> -> memref<128xi32, #tpu.memory_space<vmem>>
    %dma_wait3A_142 = arith.constant 0 : i32
    %dma_wait3A_143 = arith.constant 0 : i32
    %dma_wait3A_144 = tpu.memref_slice %arg2[%dma_wait3A_142, %dma_wait3A_143] : memref<16384x128xf32, #tpu.memory_space<hbm>> -> memref<16384x128xf32, #tpu.memory_space<hbm>>
    tpu.wait_indirect_dma semaphore(%arg8 : memref<!tpu.dma_semaphore, #tpu.memory_space<semaphore_mem>>) src(%dma_wait3A_144 : memref<16384x128xf32, #tpu.memory_space<hbm>>) dst(%dma_wait3A_139 : memref<128x128xf32, #tpu.memory_space<vmem>>)
    %add3A_145 = arith.constant 640 : i32
    %add3A_146 = arith.addi %mul3A_2, %add3A_145 : i32
    %run_scoped3A_147 = arith.constant 1 : i32
    "tpu.region"() ({
      %run_scoped3A_368 = tpu.sem_alloc : memref<!tpu.dma_semaphore, #tpu.memory_space<semaphore_mem>>
      %dma_start3A_369 = arith.constant 0 : i32
      %dma_start3A_370 = arith.constant 0 : i32
      %dma_start3A_371 = tpu.memref_slice %arg6[%run_scoped3A_147, %dma_start3A_369, %dma_start3A_370] : memref<2x128x128xf32, #tpu.memory_space<vmem>> -> memref<1x128x64xf32, #tpu.memory_space<vmem>>
      %dma_start3A_372 = tpu.memref_squeeze %dma_start3A_371 : memref<1x128x64xf32, #tpu.memory_space<vmem>> -> memref<128x64xf32, #tpu.memory_space<vmem>>
      %dma_start3A_373 = arith.constant 0 : i32
      %dma_start3A_374 = tpu.memref_slice %arg4[%add3A_146, %dma_start3A_373] : memref<65536x64xf32, #tpu.memory_space<hbm>> -> memref<128x64xf32, #tpu.memory_space<hbm>>
      %dma_start3A_375 = arith.constant 0 : i32
      %dma_start3A_376 = tpu.memref_slice %arg4[%add3A_146, %dma_start3A_375] : memref<65536x64xf32, #tpu.memory_space<hbm>> -> memref<128x64xf32, #tpu.memory_space<hbm>>
      %dma_start3A_377 = arith.constant 0 : i32
      %dma_start3A_378 = arith.constant 0 : i32
      %dma_start3A_379 = tpu.memref_slice %arg6[%run_scoped3A_147, %dma_start3A_377, %dma_start3A_378] : memref<2x128x128xf32, #tpu.memory_space<vmem>> -> memref<1x128x64xf32, #tpu.memory_space<vmem>>
      %dma_start3A_380 = tpu.memref_squeeze %dma_start3A_379 : memref<1x128x64xf32, #tpu.memory_space<vmem>> -> memref<128x64xf32, #tpu.memory_space<vmem>>
      tpu.enqueue_dma source(%dma_start3A_380 : memref<128x64xf32, #tpu.memory_space<vmem>>) target(%dma_start3A_376 : memref<128x64xf32, #tpu.memory_space<hbm>>) target_semaphore(%run_scoped3A_368 : memref<!tpu.dma_semaphore, #tpu.memory_space<semaphore_mem>>)
      %dma_wait3A_381 = arith.constant 0 : i32
      %dma_wait3A_382 = arith.constant 0 : i32
      %dma_wait3A_383 = tpu.memref_slice %arg6[%run_scoped3A_147, %dma_wait3A_381, %dma_wait3A_382] : memref<2x128x128xf32, #tpu.memory_space<vmem>> -> memref<1x128x64xf32, #tpu.memory_space<vmem>>
      %dma_wait3A_384 = tpu.memref_squeeze %dma_wait3A_383 : memref<1x128x64xf32, #tpu.memory_space<vmem>> -> memref<128x64xf32, #tpu.memory_space<vmem>>
      %dma_wait3A_385 = arith.constant 0 : i32
      %dma_wait3A_386 = tpu.memref_slice %arg4[%add3A_146, %dma_wait3A_385] : memref<65536x64xf32, #tpu.memory_space<hbm>> -> memref<128x64xf32, #tpu.memory_space<hbm>>
      %dma_wait3A_387 = arith.constant 0 : i32
      %dma_wait3A_388 = tpu.memref_slice %arg4[%add3A_146, %dma_wait3A_387] : memref<65536x64xf32, #tpu.memory_space<hbm>> -> memref<128x64xf32, #tpu.memory_space<hbm>>
      %dma_wait3A_389 = arith.constant 0 : i32
      %dma_wait3A_390 = arith.constant 0 : i32
      %dma_wait3A_391 = tpu.memref_slice %arg6[%run_scoped3A_147, %dma_wait3A_389, %dma_wait3A_390] : memref<2x128x128xf32, #tpu.memory_space<vmem>> -> memref<1x128x64xf32, #tpu.memory_space<vmem>>
      %dma_wait3A_392 = tpu.memref_squeeze %dma_wait3A_391 : memref<1x128x64xf32, #tpu.memory_space<vmem>> -> memref<128x64xf32, #tpu.memory_space<vmem>>
      tpu.wait_dma2 semaphore(%run_scoped3A_368 : memref<!tpu.dma_semaphore, #tpu.memory_space<semaphore_mem>>) src(%dma_wait3A_392 : memref<128x64xf32, #tpu.memory_space<vmem>>) dst(%dma_wait3A_388 : memref<128x64xf32, #tpu.memory_space<hbm>>)
      tpu.yield
    }) : () -> ()
    %dma_start3A_148 = arith.constant 1 : i32
    %dma_start3A_149 = arith.constant 0 : i32
    %dma_start3A_150 = arith.constant 0 : i32
    %dma_start3A_151 = tpu.memref_slice %arg6[%dma_start3A_148, %dma_start3A_149, %dma_start3A_150] : memref<2x128x128xf32, #tpu.memory_space<vmem>> -> memref<1x128x128xf32, #tpu.memory_space<vmem>>
    %dma_start3A_152 = tpu.memref_squeeze %dma_start3A_151 : memref<1x128x128xf32, #tpu.memory_space<vmem>> -> memref<128x128xf32, #tpu.memory_space<vmem>>
    %dma_start3A_153 = arith.constant 896 : i32
    %dma_start3A_154 = tpu.memref_slice %arg5[%dma_start3A_153] : memref<2048xi32, #tpu.memory_space<vmem>> -> memref<128xi32, #tpu.memory_space<vmem>>
    %dma_start3A_155 = arith.constant 0 : i32
    %dma_start3A_156 = arith.constant 0 : i32
    %dma_start3A_157 = tpu.memref_slice %arg2[%dma_start3A_155, %dma_start3A_156] : memref<16384x128xf32, #tpu.memory_space<hbm>> -> memref<16384x128xf32, #tpu.memory_space<hbm>>
    tpu.enqueue_indirect_dma source(%dma_start3A_157 : memref<16384x128xf32, #tpu.memory_space<hbm>>) target(%dma_start3A_152 : memref<128x128xf32, #tpu.memory_space<vmem>>) offsets(%dma_start3A_154 : memref<128xi32, #tpu.memory_space<vmem>>) semaphore(%arg8 : memref<!tpu.dma_semaphore, #tpu.memory_space<semaphore_mem>>)
    %dma_wait3A_158 = arith.constant 0 : i32
    %dma_wait3A_159 = arith.constant 0 : i32
    %dma_wait3A_160 = arith.constant 0 : i32
    %dma_wait3A_161 = tpu.memref_slice %arg6[%dma_wait3A_158, %dma_wait3A_159, %dma_wait3A_160] : memref<2x128x128xf32, #tpu.memory_space<vmem>> -> memref<1x128x128xf32, #tpu.memory_space<vmem>>
    %dma_wait3A_162 = tpu.memref_squeeze %dma_wait3A_161 : memref<1x128x128xf32, #tpu.memory_space<vmem>> -> memref<128x128xf32, #tpu.memory_space<vmem>>
    %dma_wait3A_163 = arith.constant 768 : i32
    %dma_wait3A_164 = tpu.memref_slice %arg5[%dma_wait3A_163] : memref<2048xi32, #tpu.memory_space<vmem>> -> memref<128xi32, #tpu.memory_space<vmem>>
    %dma_wait3A_165 = arith.constant 0 : i32
    %dma_wait3A_166 = arith.constant 0 : i32
    %dma_wait3A_167 = tpu.memref_slice %arg2[%dma_wait3A_165, %dma_wait3A_166] : memref<16384x128xf32, #tpu.memory_space<hbm>> -> memref<16384x128xf32, #tpu.memory_space<hbm>>
    tpu.wait_indirect_dma semaphore(%arg7 : memref<!tpu.dma_semaphore, #tpu.memory_space<semaphore_mem>>) src(%dma_wait3A_167 : memref<16384x128xf32, #tpu.memory_space<hbm>>) dst(%dma_wait3A_162 : memref<128x128xf32, #tpu.memory_space<vmem>>)
    %add3A_168 = arith.constant 768 : i32
    %add3A_169 = arith.addi %mul3A_2, %add3A_168 : i32
    %run_scoped3A_170 = arith.constant 0 : i32
    "tpu.region"() ({
      %run_scoped3A_368 = tpu.sem_alloc : memref<!tpu.dma_semaphore, #tpu.memory_space<semaphore_mem>>
      %dma_start3A_369 = arith.constant 0 : i32
      %dma_start3A_370 = arith.constant 0 : i32
      %dma_start3A_371 = tpu.memref_slice %arg6[%run_scoped3A_170, %dma_start3A_369, %dma_start3A_370] : memref<2x128x128xf32, #tpu.memory_space<vmem>> -> memref<1x128x64xf32, #tpu.memory_space<vmem>>
      %dma_start3A_372 = tpu.memref_squeeze %dma_start3A_371 : memref<1x128x64xf32, #tpu.memory_space<vmem>> -> memref<128x64xf32, #tpu.memory_space<vmem>>
      %dma_start3A_373 = arith.constant 0 : i32
      %dma_start3A_374 = tpu.memref_slice %arg4[%add3A_169, %dma_start3A_373] : memref<65536x64xf32, #tpu.memory_space<hbm>> -> memref<128x64xf32, #tpu.memory_space<hbm>>
      %dma_start3A_375 = arith.constant 0 : i32
      %dma_start3A_376 = tpu.memref_slice %arg4[%add3A_169, %dma_start3A_375] : memref<65536x64xf32, #tpu.memory_space<hbm>> -> memref<128x64xf32, #tpu.memory_space<hbm>>
      %dma_start3A_377 = arith.constant 0 : i32
      %dma_start3A_378 = arith.constant 0 : i32
      %dma_start3A_379 = tpu.memref_slice %arg6[%run_scoped3A_170, %dma_start3A_377, %dma_start3A_378] : memref<2x128x128xf32, #tpu.memory_space<vmem>> -> memref<1x128x64xf32, #tpu.memory_space<vmem>>
      %dma_start3A_380 = tpu.memref_squeeze %dma_start3A_379 : memref<1x128x64xf32, #tpu.memory_space<vmem>> -> memref<128x64xf32, #tpu.memory_space<vmem>>
      tpu.enqueue_dma source(%dma_start3A_380 : memref<128x64xf32, #tpu.memory_space<vmem>>) target(%dma_start3A_376 : memref<128x64xf32, #tpu.memory_space<hbm>>) target_semaphore(%run_scoped3A_368 : memref<!tpu.dma_semaphore, #tpu.memory_space<semaphore_mem>>)
      %dma_wait3A_381 = arith.constant 0 : i32
      %dma_wait3A_382 = arith.constant 0 : i32
      %dma_wait3A_383 = tpu.memref_slice %arg6[%run_scoped3A_170, %dma_wait3A_381, %dma_wait3A_382] : memref<2x128x128xf32, #tpu.memory_space<vmem>> -> memref<1x128x64xf32, #tpu.memory_space<vmem>>
      %dma_wait3A_384 = tpu.memref_squeeze %dma_wait3A_383 : memref<1x128x64xf32, #tpu.memory_space<vmem>> -> memref<128x64xf32, #tpu.memory_space<vmem>>
      %dma_wait3A_385 = arith.constant 0 : i32
      %dma_wait3A_386 = tpu.memref_slice %arg4[%add3A_169, %dma_wait3A_385] : memref<65536x64xf32, #tpu.memory_space<hbm>> -> memref<128x64xf32, #tpu.memory_space<hbm>>
      %dma_wait3A_387 = arith.constant 0 : i32
      %dma_wait3A_388 = tpu.memref_slice %arg4[%add3A_169, %dma_wait3A_387] : memref<65536x64xf32, #tpu.memory_space<hbm>> -> memref<128x64xf32, #tpu.memory_space<hbm>>
      %dma_wait3A_389 = arith.constant 0 : i32
      %dma_wait3A_390 = arith.constant 0 : i32
      %dma_wait3A_391 = tpu.memref_slice %arg6[%run_scoped3A_170, %dma_wait3A_389, %dma_wait3A_390] : memref<2x128x128xf32, #tpu.memory_space<vmem>> -> memref<1x128x64xf32, #tpu.memory_space<vmem>>
      %dma_wait3A_392 = tpu.memref_squeeze %dma_wait3A_391 : memref<1x128x64xf32, #tpu.memory_space<vmem>> -> memref<128x64xf32, #tpu.memory_space<vmem>>
      tpu.wait_dma2 semaphore(%run_scoped3A_368 : memref<!tpu.dma_semaphore, #tpu.memory_space<semaphore_mem>>) src(%dma_wait3A_392 : memref<128x64xf32, #tpu.memory_space<vmem>>) dst(%dma_wait3A_388 : memref<128x64xf32, #tpu.memory_space<hbm>>)
      tpu.yield
    }) : () -> ()
    %dma_start3A_171 = arith.constant 0 : i32
    %dma_start3A_172 = arith.constant 0 : i32
    %dma_start3A_173 = arith.constant 0 : i32
    %dma_start3A_174 = tpu.memref_slice %arg6[%dma_start3A_171, %dma_start3A_172, %dma_start3A_173] : memref<2x128x128xf32, #tpu.memory_space<vmem>> -> memref<1x128x128xf32, #tpu.memory_space<vmem>>
    %dma_start3A_175 = tpu.memref_squeeze %dma_start3A_174 : memref<1x128x128xf32, #tpu.memory_space<vmem>> -> memref<128x128xf32, #tpu.memory_space<vmem>>
    %dma_start3A_176 = arith.constant 1024 : i32
    %dma_start3A_177 = tpu.memref_slice %arg5[%dma_start3A_176] : memref<2048xi32, #tpu.memory_space<vmem>> -> memref<128xi32, #tpu.memory_space<vmem>>
    %dma_start3A_178 = arith.constant 0 : i32
    %dma_start3A_179 = arith.constant 0 : i32
    %dma_start3A_180 = tpu.memref_slice %arg2[%dma_start3A_178, %dma_start3A_179] : memref<16384x128xf32, #tpu.memory_space<hbm>> -> memref<16384x128xf32, #tpu.memory_space<hbm>>
    tpu.enqueue_indirect_dma source(%dma_start3A_180 : memref<16384x128xf32, #tpu.memory_space<hbm>>) target(%dma_start3A_175 : memref<128x128xf32, #tpu.memory_space<vmem>>) offsets(%dma_start3A_177 : memref<128xi32, #tpu.memory_space<vmem>>) semaphore(%arg7 : memref<!tpu.dma_semaphore, #tpu.memory_space<semaphore_mem>>)
    %dma_wait3A_181 = arith.constant 1 : i32
    %dma_wait3A_182 = arith.constant 0 : i32
    %dma_wait3A_183 = arith.constant 0 : i32
    %dma_wait3A_184 = tpu.memref_slice %arg6[%dma_wait3A_181, %dma_wait3A_182, %dma_wait3A_183] : memref<2x128x128xf32, #tpu.memory_space<vmem>> -> memref<1x128x128xf32, #tpu.memory_space<vmem>>
    %dma_wait3A_185 = tpu.memref_squeeze %dma_wait3A_184 : memref<1x128x128xf32, #tpu.memory_space<vmem>> -> memref<128x128xf32, #tpu.memory_space<vmem>>
    %dma_wait3A_186 = arith.constant 896 : i32
    %dma_wait3A_187 = tpu.memref_slice %arg5[%dma_wait3A_186] : memref<2048xi32, #tpu.memory_space<vmem>> -> memref<128xi32, #tpu.memory_space<vmem>>
    %dma_wait3A_188 = arith.constant 0 : i32
    %dma_wait3A_189 = arith.constant 0 : i32
    %dma_wait3A_190 = tpu.memref_slice %arg2[%dma_wait3A_188, %dma_wait3A_189] : memref<16384x128xf32, #tpu.memory_space<hbm>> -> memref<16384x128xf32, #tpu.memory_space<hbm>>
    tpu.wait_indirect_dma semaphore(%arg8 : memref<!tpu.dma_semaphore, #tpu.memory_space<semaphore_mem>>) src(%dma_wait3A_190 : memref<16384x128xf32, #tpu.memory_space<hbm>>) dst(%dma_wait3A_185 : memref<128x128xf32, #tpu.memory_space<vmem>>)
    %add3A_191 = arith.constant 896 : i32
    %add3A_192 = arith.addi %mul3A_2, %add3A_191 : i32
    %run_scoped3A_193 = arith.constant 1 : i32
    "tpu.region"() ({
      %run_scoped3A_368 = tpu.sem_alloc : memref<!tpu.dma_semaphore, #tpu.memory_space<semaphore_mem>>
      %dma_start3A_369 = arith.constant 0 : i32
      %dma_start3A_370 = arith.constant 0 : i32
      %dma_start3A_371 = tpu.memref_slice %arg6[%run_scoped3A_193, %dma_start3A_369, %dma_start3A_370] : memref<2x128x128xf32, #tpu.memory_space<vmem>> -> memref<1x128x64xf32, #tpu.memory_space<vmem>>
      %dma_start3A_372 = tpu.memref_squeeze %dma_start3A_371 : memref<1x128x64xf32, #tpu.memory_space<vmem>> -> memref<128x64xf32, #tpu.memory_space<vmem>>
      %dma_start3A_373 = arith.constant 0 : i32
      %dma_start3A_374 = tpu.memref_slice %arg4[%add3A_192, %dma_start3A_373] : memref<65536x64xf32, #tpu.memory_space<hbm>> -> memref<128x64xf32, #tpu.memory_space<hbm>>
      %dma_start3A_375 = arith.constant 0 : i32
      %dma_start3A_376 = tpu.memref_slice %arg4[%add3A_192, %dma_start3A_375] : memref<65536x64xf32, #tpu.memory_space<hbm>> -> memref<128x64xf32, #tpu.memory_space<hbm>>
      %dma_start3A_377 = arith.constant 0 : i32
      %dma_start3A_378 = arith.constant 0 : i32
      %dma_start3A_379 = tpu.memref_slice %arg6[%run_scoped3A_193, %dma_start3A_377, %dma_start3A_378] : memref<2x128x128xf32, #tpu.memory_space<vmem>> -> memref<1x128x64xf32, #tpu.memory_space<vmem>>
      %dma_start3A_380 = tpu.memref_squeeze %dma_start3A_379 : memref<1x128x64xf32, #tpu.memory_space<vmem>> -> memref<128x64xf32, #tpu.memory_space<vmem>>
      tpu.enqueue_dma source(%dma_start3A_380 : memref<128x64xf32, #tpu.memory_space<vmem>>) target(%dma_start3A_376 : memref<128x64xf32, #tpu.memory_space<hbm>>) target_semaphore(%run_scoped3A_368 : memref<!tpu.dma_semaphore, #tpu.memory_space<semaphore_mem>>)
      %dma_wait3A_381 = arith.constant 0 : i32
      %dma_wait3A_382 = arith.constant 0 : i32
      %dma_wait3A_383 = tpu.memref_slice %arg6[%run_scoped3A_193, %dma_wait3A_381, %dma_wait3A_382] : memref<2x128x128xf32, #tpu.memory_space<vmem>> -> memref<1x128x64xf32, #tpu.memory_space<vmem>>
      %dma_wait3A_384 = tpu.memref_squeeze %dma_wait3A_383 : memref<1x128x64xf32, #tpu.memory_space<vmem>> -> memref<128x64xf32, #tpu.memory_space<vmem>>
      %dma_wait3A_385 = arith.constant 0 : i32
      %dma_wait3A_386 = tpu.memref_slice %arg4[%add3A_192, %dma_wait3A_385] : memref<65536x64xf32, #tpu.memory_space<hbm>> -> memref<128x64xf32, #tpu.memory_space<hbm>>
      %dma_wait3A_387 = arith.constant 0 : i32
      %dma_wait3A_388 = tpu.memref_slice %arg4[%add3A_192, %dma_wait3A_387] : memref<65536x64xf32, #tpu.memory_space<hbm>> -> memref<128x64xf32, #tpu.memory_space<hbm>>
      %dma_wait3A_389 = arith.constant 0 : i32
      %dma_wait3A_390 = arith.constant 0 : i32
      %dma_wait3A_391 = tpu.memref_slice %arg6[%run_scoped3A_193, %dma_wait3A_389, %dma_wait3A_390] : memref<2x128x128xf32, #tpu.memory_space<vmem>> -> memref<1x128x64xf32, #tpu.memory_space<vmem>>
      %dma_wait3A_392 = tpu.memref_squeeze %dma_wait3A_391 : memref<1x128x64xf32, #tpu.memory_space<vmem>> -> memref<128x64xf32, #tpu.memory_space<vmem>>
      tpu.wait_dma2 semaphore(%run_scoped3A_368 : memref<!tpu.dma_semaphore, #tpu.memory_space<semaphore_mem>>) src(%dma_wait3A_392 : memref<128x64xf32, #tpu.memory_space<vmem>>) dst(%dma_wait3A_388 : memref<128x64xf32, #tpu.memory_space<hbm>>)
      tpu.yield
    }) : () -> ()
    %dma_start3A_194 = arith.constant 1 : i32
    %dma_start3A_195 = arith.constant 0 : i32
    %dma_start3A_196 = arith.constant 0 : i32
    %dma_start3A_197 = tpu.memref_slice %arg6[%dma_start3A_194, %dma_start3A_195, %dma_start3A_196] : memref<2x128x128xf32, #tpu.memory_space<vmem>> -> memref<1x128x128xf32, #tpu.memory_space<vmem>>
    %dma_start3A_198 = tpu.memref_squeeze %dma_start3A_197 : memref<1x128x128xf32, #tpu.memory_space<vmem>> -> memref<128x128xf32, #tpu.memory_space<vmem>>
    %dma_start3A_199 = arith.constant 1152 : i32
    %dma_start3A_200 = tpu.memref_slice %arg5[%dma_start3A_199] : memref<2048xi32, #tpu.memory_space<vmem>> -> memref<128xi32, #tpu.memory_space<vmem>>
    %dma_start3A_201 = arith.constant 0 : i32
    %dma_start3A_202 = arith.constant 0 : i32
    %dma_start3A_203 = tpu.memref_slice %arg2[%dma_start3A_201, %dma_start3A_202] : memref<16384x128xf32, #tpu.memory_space<hbm>> -> memref<16384x128xf32, #tpu.memory_space<hbm>>
    tpu.enqueue_indirect_dma source(%dma_start3A_203 : memref<16384x128xf32, #tpu.memory_space<hbm>>) target(%dma_start3A_198 : memref<128x128xf32, #tpu.memory_space<vmem>>) offsets(%dma_start3A_200 : memref<128xi32, #tpu.memory_space<vmem>>) semaphore(%arg8 : memref<!tpu.dma_semaphore, #tpu.memory_space<semaphore_mem>>)
    %dma_wait3A_204 = arith.constant 0 : i32
    %dma_wait3A_205 = arith.constant 0 : i32
    %dma_wait3A_206 = arith.constant 0 : i32
    %dma_wait3A_207 = tpu.memref_slice %arg6[%dma_wait3A_204, %dma_wait3A_205, %dma_wait3A_206] : memref<2x128x128xf32, #tpu.memory_space<vmem>> -> memref<1x128x128xf32, #tpu.memory_space<vmem>>
    %dma_wait3A_208 = tpu.memref_squeeze %dma_wait3A_207 : memref<1x128x128xf32, #tpu.memory_space<vmem>> -> memref<128x128xf32, #tpu.memory_space<vmem>>
    %dma_wait3A_209 = arith.constant 1024 : i32
    %dma_wait3A_210 = tpu.memref_slice %arg5[%dma_wait3A_209] : memref<2048xi32, #tpu.memory_space<vmem>> -> memref<128xi32, #tpu.memory_space<vmem>>
    %dma_wait3A_211 = arith.constant 0 : i32
    %dma_wait3A_212 = arith.constant 0 : i32
    %dma_wait3A_213 = tpu.memref_slice %arg2[%dma_wait3A_211, %dma_wait3A_212] : memref<16384x128xf32, #tpu.memory_space<hbm>> -> memref<16384x128xf32, #tpu.memory_space<hbm>>
    tpu.wait_indirect_dma semaphore(%arg7 : memref<!tpu.dma_semaphore, #tpu.memory_space<semaphore_mem>>) src(%dma_wait3A_213 : memref<16384x128xf32, #tpu.memory_space<hbm>>) dst(%dma_wait3A_208 : memref<128x128xf32, #tpu.memory_space<vmem>>)
    %add3A_214 = arith.constant 1024 : i32
    %add3A_215 = arith.addi %mul3A_2, %add3A_214 : i32
    %run_scoped3A_216 = arith.constant 0 : i32
    "tpu.region"() ({
      %run_scoped3A_368 = tpu.sem_alloc : memref<!tpu.dma_semaphore, #tpu.memory_space<semaphore_mem>>
      %dma_start3A_369 = arith.constant 0 : i32
      %dma_start3A_370 = arith.constant 0 : i32
      %dma_start3A_371 = tpu.memref_slice %arg6[%run_scoped3A_216, %dma_start3A_369, %dma_start3A_370] : memref<2x128x128xf32, #tpu.memory_space<vmem>> -> memref<1x128x64xf32, #tpu.memory_space<vmem>>
      %dma_start3A_372 = tpu.memref_squeeze %dma_start3A_371 : memref<1x128x64xf32, #tpu.memory_space<vmem>> -> memref<128x64xf32, #tpu.memory_space<vmem>>
      %dma_start3A_373 = arith.constant 0 : i32
      %dma_start3A_374 = tpu.memref_slice %arg4[%add3A_215, %dma_start3A_373] : memref<65536x64xf32, #tpu.memory_space<hbm>> -> memref<128x64xf32, #tpu.memory_space<hbm>>
      %dma_start3A_375 = arith.constant 0 : i32
      %dma_start3A_376 = tpu.memref_slice %arg4[%add3A_215, %dma_start3A_375] : memref<65536x64xf32, #tpu.memory_space<hbm>> -> memref<128x64xf32, #tpu.memory_space<hbm>>
      %dma_start3A_377 = arith.constant 0 : i32
      %dma_start3A_378 = arith.constant 0 : i32
      %dma_start3A_379 = tpu.memref_slice %arg6[%run_scoped3A_216, %dma_start3A_377, %dma_start3A_378] : memref<2x128x128xf32, #tpu.memory_space<vmem>> -> memref<1x128x64xf32, #tpu.memory_space<vmem>>
      %dma_start3A_380 = tpu.memref_squeeze %dma_start3A_379 : memref<1x128x64xf32, #tpu.memory_space<vmem>> -> memref<128x64xf32, #tpu.memory_space<vmem>>
      tpu.enqueue_dma source(%dma_start3A_380 : memref<128x64xf32, #tpu.memory_space<vmem>>) target(%dma_start3A_376 : memref<128x64xf32, #tpu.memory_space<hbm>>) target_semaphore(%run_scoped3A_368 : memref<!tpu.dma_semaphore, #tpu.memory_space<semaphore_mem>>)
      %dma_wait3A_381 = arith.constant 0 : i32
      %dma_wait3A_382 = arith.constant 0 : i32
      %dma_wait3A_383 = tpu.memref_slice %arg6[%run_scoped3A_216, %dma_wait3A_381, %dma_wait3A_382] : memref<2x128x128xf32, #tpu.memory_space<vmem>> -> memref<1x128x64xf32, #tpu.memory_space<vmem>>
      %dma_wait3A_384 = tpu.memref_squeeze %dma_wait3A_383 : memref<1x128x64xf32, #tpu.memory_space<vmem>> -> memref<128x64xf32, #tpu.memory_space<vmem>>
      %dma_wait3A_385 = arith.constant 0 : i32
      %dma_wait3A_386 = tpu.memref_slice %arg4[%add3A_215, %dma_wait3A_385] : memref<65536x64xf32, #tpu.memory_space<hbm>> -> memref<128x64xf32, #tpu.memory_space<hbm>>
      %dma_wait3A_387 = arith.constant 0 : i32
      %dma_wait3A_388 = tpu.memref_slice %arg4[%add3A_215, %dma_wait3A_387] : memref<65536x64xf32, #tpu.memory_space<hbm>> -> memref<128x64xf32, #tpu.memory_space<hbm>>
      %dma_wait3A_389 = arith.constant 0 : i32
      %dma_wait3A_390 = arith.constant 0 : i32
      %dma_wait3A_391 = tpu.memref_slice %arg6[%run_scoped3A_216, %dma_wait3A_389, %dma_wait3A_390] : memref<2x128x128xf32, #tpu.memory_space<vmem>> -> memref<1x128x64xf32, #tpu.memory_space<vmem>>
      %dma_wait3A_392 = tpu.memref_squeeze %dma_wait3A_391 : memref<1x128x64xf32, #tpu.memory_space<vmem>> -> memref<128x64xf32, #tpu.memory_space<vmem>>
      tpu.wait_dma2 semaphore(%run_scoped3A_368 : memref<!tpu.dma_semaphore, #tpu.memory_space<semaphore_mem>>) src(%dma_wait3A_392 : memref<128x64xf32, #tpu.memory_space<vmem>>) dst(%dma_wait3A_388 : memref<128x64xf32, #tpu.memory_space<hbm>>)
      tpu.yield
    }) : () -> ()
    %dma_start3A_217 = arith.constant 0 : i32
    %dma_start3A_218 = arith.constant 0 : i32
    %dma_start3A_219 = arith.constant 0 : i32
    %dma_start3A_220 = tpu.memref_slice %arg6[%dma_start3A_217, %dma_start3A_218, %dma_start3A_219] : memref<2x128x128xf32, #tpu.memory_space<vmem>> -> memref<1x128x128xf32, #tpu.memory_space<vmem>>
    %dma_start3A_221 = tpu.memref_squeeze %dma_start3A_220 : memref<1x128x128xf32, #tpu.memory_space<vmem>> -> memref<128x128xf32, #tpu.memory_space<vmem>>
    %dma_start3A_222 = arith.constant 1280 : i32
    %dma_start3A_223 = tpu.memref_slice %arg5[%dma_start3A_222] : memref<2048xi32, #tpu.memory_space<vmem>> -> memref<128xi32, #tpu.memory_space<vmem>>
    %dma_start3A_224 = arith.constant 0 : i32
    %dma_start3A_225 = arith.constant 0 : i32
    %dma_start3A_226 = tpu.memref_slice %arg2[%dma_start3A_224, %dma_start3A_225] : memref<16384x128xf32, #tpu.memory_space<hbm>> -> memref<16384x128xf32, #tpu.memory_space<hbm>>
    tpu.enqueue_indirect_dma source(%dma_start3A_226 : memref<16384x128xf32, #tpu.memory_space<hbm>>) target(%dma_start3A_221 : memref<128x128xf32, #tpu.memory_space<vmem>>) offsets(%dma_start3A_223 : memref<128xi32, #tpu.memory_space<vmem>>) semaphore(%arg7 : memref<!tpu.dma_semaphore, #tpu.memory_space<semaphore_mem>>)
    %dma_wait3A_227 = arith.constant 1 : i32
    %dma_wait3A_228 = arith.constant 0 : i32
    %dma_wait3A_229 = arith.constant 0 : i32
    %dma_wait3A_230 = tpu.memref_slice %arg6[%dma_wait3A_227, %dma_wait3A_228, %dma_wait3A_229] : memref<2x128x128xf32, #tpu.memory_space<vmem>> -> memref<1x128x128xf32, #tpu.memory_space<vmem>>
    %dma_wait3A_231 = tpu.memref_squeeze %dma_wait3A_230 : memref<1x128x128xf32, #tpu.memory_space<vmem>> -> memref<128x128xf32, #tpu.memory_space<vmem>>
    %dma_wait3A_232 = arith.constant 1152 : i32
    %dma_wait3A_233 = tpu.memref_slice %arg5[%dma_wait3A_232] : memref<2048xi32, #tpu.memory_space<vmem>> -> memref<128xi32, #tpu.memory_space<vmem>>
    %dma_wait3A_234 = arith.constant 0 : i32
    %dma_wait3A_235 = arith.constant 0 : i32
    %dma_wait3A_236 = tpu.memref_slice %arg2[%dma_wait3A_234, %dma_wait3A_235] : memref<16384x128xf32, #tpu.memory_space<hbm>> -> memref<16384x128xf32, #tpu.memory_space<hbm>>
    tpu.wait_indirect_dma semaphore(%arg8 : memref<!tpu.dma_semaphore, #tpu.memory_space<semaphore_mem>>) src(%dma_wait3A_236 : memref<16384x128xf32, #tpu.memory_space<hbm>>) dst(%dma_wait3A_231 : memref<128x128xf32, #tpu.memory_space<vmem>>)
    %add3A_237 = arith.constant 1152 : i32
    %add3A_238 = arith.addi %mul3A_2, %add3A_237 : i32
    %run_scoped3A_239 = arith.constant 1 : i32
    "tpu.region"() ({
      %run_scoped3A_368 = tpu.sem_alloc : memref<!tpu.dma_semaphore, #tpu.memory_space<semaphore_mem>>
      %dma_start3A_369 = arith.constant 0 : i32
      %dma_start3A_370 = arith.constant 0 : i32
      %dma_start3A_371 = tpu.memref_slice %arg6[%run_scoped3A_239, %dma_start3A_369, %dma_start3A_370] : memref<2x128x128xf32, #tpu.memory_space<vmem>> -> memref<1x128x64xf32, #tpu.memory_space<vmem>>
      %dma_start3A_372 = tpu.memref_squeeze %dma_start3A_371 : memref<1x128x64xf32, #tpu.memory_space<vmem>> -> memref<128x64xf32, #tpu.memory_space<vmem>>
      %dma_start3A_373 = arith.constant 0 : i32
      %dma_start3A_374 = tpu.memref_slice %arg4[%add3A_238, %dma_start3A_373] : memref<65536x64xf32, #tpu.memory_space<hbm>> -> memref<128x64xf32, #tpu.memory_space<hbm>>
      %dma_start3A_375 = arith.constant 0 : i32
      %dma_start3A_376 = tpu.memref_slice %arg4[%add3A_238, %dma_start3A_375] : memref<65536x64xf32, #tpu.memory_space<hbm>> -> memref<128x64xf32, #tpu.memory_space<hbm>>
      %dma_start3A_377 = arith.constant 0 : i32
      %dma_start3A_378 = arith.constant 0 : i32
      %dma_start3A_379 = tpu.memref_slice %arg6[%run_scoped3A_239, %dma_start3A_377, %dma_start3A_378] : memref<2x128x128xf32, #tpu.memory_space<vmem>> -> memref<1x128x64xf32, #tpu.memory_space<vmem>>
      %dma_start3A_380 = tpu.memref_squeeze %dma_start3A_379 : memref<1x128x64xf32, #tpu.memory_space<vmem>> -> memref<128x64xf32, #tpu.memory_space<vmem>>
      tpu.enqueue_dma source(%dma_start3A_380 : memref<128x64xf32, #tpu.memory_space<vmem>>) target(%dma_start3A_376 : memref<128x64xf32, #tpu.memory_space<hbm>>) target_semaphore(%run_scoped3A_368 : memref<!tpu.dma_semaphore, #tpu.memory_space<semaphore_mem>>)
      %dma_wait3A_381 = arith.constant 0 : i32
      %dma_wait3A_382 = arith.constant 0 : i32
      %dma_wait3A_383 = tpu.memref_slice %arg6[%run_scoped3A_239, %dma_wait3A_381, %dma_wait3A_382] : memref<2x128x128xf32, #tpu.memory_space<vmem>> -> memref<1x128x64xf32, #tpu.memory_space<vmem>>
      %dma_wait3A_384 = tpu.memref_squeeze %dma_wait3A_383 : memref<1x128x64xf32, #tpu.memory_space<vmem>> -> memref<128x64xf32, #tpu.memory_space<vmem>>
      %dma_wait3A_385 = arith.constant 0 : i32
      %dma_wait3A_386 = tpu.memref_slice %arg4[%add3A_238, %dma_wait3A_385] : memref<65536x64xf32, #tpu.memory_space<hbm>> -> memref<128x64xf32, #tpu.memory_space<hbm>>
      %dma_wait3A_387 = arith.constant 0 : i32
      %dma_wait3A_388 = tpu.memref_slice %arg4[%add3A_238, %dma_wait3A_387] : memref<65536x64xf32, #tpu.memory_space<hbm>> -> memref<128x64xf32, #tpu.memory_space<hbm>>
      %dma_wait3A_389 = arith.constant 0 : i32
      %dma_wait3A_390 = arith.constant 0 : i32
      %dma_wait3A_391 = tpu.memref_slice %arg6[%run_scoped3A_239, %dma_wait3A_389, %dma_wait3A_390] : memref<2x128x128xf32, #tpu.memory_space<vmem>> -> memref<1x128x64xf32, #tpu.memory_space<vmem>>
      %dma_wait3A_392 = tpu.memref_squeeze %dma_wait3A_391 : memref<1x128x64xf32, #tpu.memory_space<vmem>> -> memref<128x64xf32, #tpu.memory_space<vmem>>
      tpu.wait_dma2 semaphore(%run_scoped3A_368 : memref<!tpu.dma_semaphore, #tpu.memory_space<semaphore_mem>>) src(%dma_wait3A_392 : memref<128x64xf32, #tpu.memory_space<vmem>>) dst(%dma_wait3A_388 : memref<128x64xf32, #tpu.memory_space<hbm>>)
      tpu.yield
    }) : () -> ()
    %dma_start3A_240 = arith.constant 1 : i32
    %dma_start3A_241 = arith.constant 0 : i32
    %dma_start3A_242 = arith.constant 0 : i32
    %dma_start3A_243 = tpu.memref_slice %arg6[%dma_start3A_240, %dma_start3A_241, %dma_start3A_242] : memref<2x128x128xf32, #tpu.memory_space<vmem>> -> memref<1x128x128xf32, #tpu.memory_space<vmem>>
    %dma_start3A_244 = tpu.memref_squeeze %dma_start3A_243 : memref<1x128x128xf32, #tpu.memory_space<vmem>> -> memref<128x128xf32, #tpu.memory_space<vmem>>
    %dma_start3A_245 = arith.constant 1408 : i32
    %dma_start3A_246 = tpu.memref_slice %arg5[%dma_start3A_245] : memref<2048xi32, #tpu.memory_space<vmem>> -> memref<128xi32, #tpu.memory_space<vmem>>
    %dma_start3A_247 = arith.constant 0 : i32
    %dma_start3A_248 = arith.constant 0 : i32
    %dma_start3A_249 = tpu.memref_slice %arg2[%dma_start3A_247, %dma_start3A_248] : memref<16384x128xf32, #tpu.memory_space<hbm>> -> memref<16384x128xf32, #tpu.memory_space<hbm>>
    tpu.enqueue_indirect_dma source(%dma_start3A_249 : memref<16384x128xf32, #tpu.memory_space<hbm>>) target(%dma_start3A_244 : memref<128x128xf32, #tpu.memory_space<vmem>>) offsets(%dma_start3A_246 : memref<128xi32, #tpu.memory_space<vmem>>) semaphore(%arg8 : memref<!tpu.dma_semaphore, #tpu.memory_space<semaphore_mem>>)
    %dma_wait3A_250 = arith.constant 0 : i32
    %dma_wait3A_251 = arith.constant 0 : i32
    %dma_wait3A_252 = arith.constant 0 : i32
    %dma_wait3A_253 = tpu.memref_slice %arg6[%dma_wait3A_250, %dma_wait3A_251, %dma_wait3A_252] : memref<2x128x128xf32, #tpu.memory_space<vmem>> -> memref<1x128x128xf32, #tpu.memory_space<vmem>>
    %dma_wait3A_254 = tpu.memref_squeeze %dma_wait3A_253 : memref<1x128x128xf32, #tpu.memory_space<vmem>> -> memref<128x128xf32, #tpu.memory_space<vmem>>
    %dma_wait3A_255 = arith.constant 1280 : i32
    %dma_wait3A_256 = tpu.memref_slice %arg5[%dma_wait3A_255] : memref<2048xi32, #tpu.memory_space<vmem>> -> memref<128xi32, #tpu.memory_space<vmem>>
    %dma_wait3A_257 = arith.constant 0 : i32
    %dma_wait3A_258 = arith.constant 0 : i32
    %dma_wait3A_259 = tpu.memref_slice %arg2[%dma_wait3A_257, %dma_wait3A_258] : memref<16384x128xf32, #tpu.memory_space<hbm>> -> memref<16384x128xf32, #tpu.memory_space<hbm>>
    tpu.wait_indirect_dma semaphore(%arg7 : memref<!tpu.dma_semaphore, #tpu.memory_space<semaphore_mem>>) src(%dma_wait3A_259 : memref<16384x128xf32, #tpu.memory_space<hbm>>) dst(%dma_wait3A_254 : memref<128x128xf32, #tpu.memory_space<vmem>>)
    %add3A_260 = arith.constant 1280 : i32
    %add3A_261 = arith.addi %mul3A_2, %add3A_260 : i32
    %run_scoped3A_262 = arith.constant 0 : i32
    "tpu.region"() ({
      %run_scoped3A_368 = tpu.sem_alloc : memref<!tpu.dma_semaphore, #tpu.memory_space<semaphore_mem>>
      %dma_start3A_369 = arith.constant 0 : i32
      %dma_start3A_370 = arith.constant 0 : i32
      %dma_start3A_371 = tpu.memref_slice %arg6[%run_scoped3A_262, %dma_start3A_369, %dma_start3A_370] : memref<2x128x128xf32, #tpu.memory_space<vmem>> -> memref<1x128x64xf32, #tpu.memory_space<vmem>>
      %dma_start3A_372 = tpu.memref_squeeze %dma_start3A_371 : memref<1x128x64xf32, #tpu.memory_space<vmem>> -> memref<128x64xf32, #tpu.memory_space<vmem>>
      %dma_start3A_373 = arith.constant 0 : i32
      %dma_start3A_374 = tpu.memref_slice %arg4[%add3A_261, %dma_start3A_373] : memref<65536x64xf32, #tpu.memory_space<hbm>> -> memref<128x64xf32, #tpu.memory_space<hbm>>
      %dma_start3A_375 = arith.constant 0 : i32
      %dma_start3A_376 = tpu.memref_slice %arg4[%add3A_261, %dma_start3A_375] : memref<65536x64xf32, #tpu.memory_space<hbm>> -> memref<128x64xf32, #tpu.memory_space<hbm>>
      %dma_start3A_377 = arith.constant 0 : i32
      %dma_start3A_378 = arith.constant 0 : i32
      %dma_start3A_379 = tpu.memref_slice %arg6[%run_scoped3A_262, %dma_start3A_377, %dma_start3A_378] : memref<2x128x128xf32, #tpu.memory_space<vmem>> -> memref<1x128x64xf32, #tpu.memory_space<vmem>>
      %dma_start3A_380 = tpu.memref_squeeze %dma_start3A_379 : memref<1x128x64xf32, #tpu.memory_space<vmem>> -> memref<128x64xf32, #tpu.memory_space<vmem>>
      tpu.enqueue_dma source(%dma_start3A_380 : memref<128x64xf32, #tpu.memory_space<vmem>>) target(%dma_start3A_376 : memref<128x64xf32, #tpu.memory_space<hbm>>) target_semaphore(%run_scoped3A_368 : memref<!tpu.dma_semaphore, #tpu.memory_space<semaphore_mem>>)
      %dma_wait3A_381 = arith.constant 0 : i32
      %dma_wait3A_382 = arith.constant 0 : i32
      %dma_wait3A_383 = tpu.memref_slice %arg6[%run_scoped3A_262, %dma_wait3A_381, %dma_wait3A_382] : memref<2x128x128xf32, #tpu.memory_space<vmem>> -> memref<1x128x64xf32, #tpu.memory_space<vmem>>
      %dma_wait3A_384 = tpu.memref_squeeze %dma_wait3A_383 : memref<1x128x64xf32, #tpu.memory_space<vmem>> -> memref<128x64xf32, #tpu.memory_space<vmem>>
      %dma_wait3A_385 = arith.constant 0 : i32
      %dma_wait3A_386 = tpu.memref_slice %arg4[%add3A_261, %dma_wait3A_385] : memref<65536x64xf32, #tpu.memory_space<hbm>> -> memref<128x64xf32, #tpu.memory_space<hbm>>
      %dma_wait3A_387 = arith.constant 0 : i32
      %dma_wait3A_388 = tpu.memref_slice %arg4[%add3A_261, %dma_wait3A_387] : memref<65536x64xf32, #tpu.memory_space<hbm>> -> memref<128x64xf32, #tpu.memory_space<hbm>>
      %dma_wait3A_389 = arith.constant 0 : i32
      %dma_wait3A_390 = arith.constant 0 : i32
      %dma_wait3A_391 = tpu.memref_slice %arg6[%run_scoped3A_262, %dma_wait3A_389, %dma_wait3A_390] : memref<2x128x128xf32, #tpu.memory_space<vmem>> -> memref<1x128x64xf32, #tpu.memory_space<vmem>>
      %dma_wait3A_392 = tpu.memref_squeeze %dma_wait3A_391 : memref<1x128x64xf32, #tpu.memory_space<vmem>> -> memref<128x64xf32, #tpu.memory_space<vmem>>
      tpu.wait_dma2 semaphore(%run_scoped3A_368 : memref<!tpu.dma_semaphore, #tpu.memory_space<semaphore_mem>>) src(%dma_wait3A_392 : memref<128x64xf32, #tpu.memory_space<vmem>>) dst(%dma_wait3A_388 : memref<128x64xf32, #tpu.memory_space<hbm>>)
      tpu.yield
    }) : () -> ()
    %dma_start3A_263 = arith.constant 0 : i32
    %dma_start3A_264 = arith.constant 0 : i32
    %dma_start3A_265 = arith.constant 0 : i32
    %dma_start3A_266 = tpu.memref_slice %arg6[%dma_start3A_263, %dma_start3A_264, %dma_start3A_265] : memref<2x128x128xf32, #tpu.memory_space<vmem>> -> memref<1x128x128xf32, #tpu.memory_space<vmem>>
    %dma_start3A_267 = tpu.memref_squeeze %dma_start3A_266 : memref<1x128x128xf32, #tpu.memory_space<vmem>> -> memref<128x128xf32, #tpu.memory_space<vmem>>
    %dma_start3A_268 = arith.constant 1536 : i32
    %dma_start3A_269 = tpu.memref_slice %arg5[%dma_start3A_268] : memref<2048xi32, #tpu.memory_space<vmem>> -> memref<128xi32, #tpu.memory_space<vmem>>
    %dma_start3A_270 = arith.constant 0 : i32
    %dma_start3A_271 = arith.constant 0 : i32
    %dma_start3A_272 = tpu.memref_slice %arg2[%dma_start3A_270, %dma_start3A_271] : memref<16384x128xf32, #tpu.memory_space<hbm>> -> memref<16384x128xf32, #tpu.memory_space<hbm>>
    tpu.enqueue_indirect_dma source(%dma_start3A_272 : memref<16384x128xf32, #tpu.memory_space<hbm>>) target(%dma_start3A_267 : memref<128x128xf32, #tpu.memory_space<vmem>>) offsets(%dma_start3A_269 : memref<128xi32, #tpu.memory_space<vmem>>) semaphore(%arg7 : memref<!tpu.dma_semaphore, #tpu.memory_space<semaphore_mem>>)
    %dma_wait3A_273 = arith.constant 1 : i32
    %dma_wait3A_274 = arith.constant 0 : i32
    %dma_wait3A_275 = arith.constant 0 : i32
    %dma_wait3A_276 = tpu.memref_slice %arg6[%dma_wait3A_273, %dma_wait3A_274, %dma_wait3A_275] : memref<2x128x128xf32, #tpu.memory_space<vmem>> -> memref<1x128x128xf32, #tpu.memory_space<vmem>>
    %dma_wait3A_277 = tpu.memref_squeeze %dma_wait3A_276 : memref<1x128x128xf32, #tpu.memory_space<vmem>> -> memref<128x128xf32, #tpu.memory_space<vmem>>
    %dma_wait3A_278 = arith.constant 1408 : i32
    %dma_wait3A_279 = tpu.memref_slice %arg5[%dma_wait3A_278] : memref<2048xi32, #tpu.memory_space<vmem>> -> memref<128xi32, #tpu.memory_space<vmem>>
    %dma_wait3A_280 = arith.constant 0 : i32
    %dma_wait3A_281 = arith.constant 0 : i32
    %dma_wait3A_282 = tpu.memref_slice %arg2[%dma_wait3A_280, %dma_wait3A_281] : memref<16384x128xf32, #tpu.memory_space<hbm>> -> memref<16384x128xf32, #tpu.memory_space<hbm>>
    tpu.wait_indirect_dma semaphore(%arg8 : memref<!tpu.dma_semaphore, #tpu.memory_space<semaphore_mem>>) src(%dma_wait3A_282 : memref<16384x128xf32, #tpu.memory_space<hbm>>) dst(%dma_wait3A_277 : memref<128x128xf32, #tpu.memory_space<vmem>>)
    %add3A_283 = arith.constant 1408 : i32
    %add3A_284 = arith.addi %mul3A_2, %add3A_283 : i32
    %run_scoped3A_285 = arith.constant 1 : i32
    "tpu.region"() ({
      %run_scoped3A_368 = tpu.sem_alloc : memref<!tpu.dma_semaphore, #tpu.memory_space<semaphore_mem>>
      %dma_start3A_369 = arith.constant 0 : i32
      %dma_start3A_370 = arith.constant 0 : i32
      %dma_start3A_371 = tpu.memref_slice %arg6[%run_scoped3A_285, %dma_start3A_369, %dma_start3A_370] : memref<2x128x128xf32, #tpu.memory_space<vmem>> -> memref<1x128x64xf32, #tpu.memory_space<vmem>>
      %dma_start3A_372 = tpu.memref_squeeze %dma_start3A_371 : memref<1x128x64xf32, #tpu.memory_space<vmem>> -> memref<128x64xf32, #tpu.memory_space<vmem>>
      %dma_start3A_373 = arith.constant 0 : i32
      %dma_start3A_374 = tpu.memref_slice %arg4[%add3A_284, %dma_start3A_373] : memref<65536x64xf32, #tpu.memory_space<hbm>> -> memref<128x64xf32, #tpu.memory_space<hbm>>
      %dma_start3A_375 = arith.constant 0 : i32
      %dma_start3A_376 = tpu.memref_slice %arg4[%add3A_284, %dma_start3A_375] : memref<65536x64xf32, #tpu.memory_space<hbm>> -> memref<128x64xf32, #tpu.memory_space<hbm>>
      %dma_start3A_377 = arith.constant 0 : i32
      %dma_start3A_378 = arith.constant 0 : i32
      %dma_start3A_379 = tpu.memref_slice %arg6[%run_scoped3A_285, %dma_start3A_377, %dma_start3A_378] : memref<2x128x128xf32, #tpu.memory_space<vmem>> -> memref<1x128x64xf32, #tpu.memory_space<vmem>>
      %dma_start3A_380 = tpu.memref_squeeze %dma_start3A_379 : memref<1x128x64xf32, #tpu.memory_space<vmem>> -> memref<128x64xf32, #tpu.memory_space<vmem>>
      tpu.enqueue_dma source(%dma_start3A_380 : memref<128x64xf32, #tpu.memory_space<vmem>>) target(%dma_start3A_376 : memref<128x64xf32, #tpu.memory_space<hbm>>) target_semaphore(%run_scoped3A_368 : memref<!tpu.dma_semaphore, #tpu.memory_space<semaphore_mem>>)
      %dma_wait3A_381 = arith.constant 0 : i32
      %dma_wait3A_382 = arith.constant 0 : i32
      %dma_wait3A_383 = tpu.memref_slice %arg6[%run_scoped3A_285, %dma_wait3A_381, %dma_wait3A_382] : memref<2x128x128xf32, #tpu.memory_space<vmem>> -> memref<1x128x64xf32, #tpu.memory_space<vmem>>
      %dma_wait3A_384 = tpu.memref_squeeze %dma_wait3A_383 : memref<1x128x64xf32, #tpu.memory_space<vmem>> -> memref<128x64xf32, #tpu.memory_space<vmem>>
      %dma_wait3A_385 = arith.constant 0 : i32
      %dma_wait3A_386 = tpu.memref_slice %arg4[%add3A_284, %dma_wait3A_385] : memref<65536x64xf32, #tpu.memory_space<hbm>> -> memref<128x64xf32, #tpu.memory_space<hbm>>
      %dma_wait3A_387 = arith.constant 0 : i32
      %dma_wait3A_388 = tpu.memref_slice %arg4[%add3A_284, %dma_wait3A_387] : memref<65536x64xf32, #tpu.memory_space<hbm>> -> memref<128x64xf32, #tpu.memory_space<hbm>>
      %dma_wait3A_389 = arith.constant 0 : i32
      %dma_wait3A_390 = arith.constant 0 : i32
      %dma_wait3A_391 = tpu.memref_slice %arg6[%run_scoped3A_285, %dma_wait3A_389, %dma_wait3A_390] : memref<2x128x128xf32, #tpu.memory_space<vmem>> -> memref<1x128x64xf32, #tpu.memory_space<vmem>>
      %dma_wait3A_392 = tpu.memref_squeeze %dma_wait3A_391 : memref<1x128x64xf32, #tpu.memory_space<vmem>> -> memref<128x64xf32, #tpu.memory_space<vmem>>
      tpu.wait_dma2 semaphore(%run_scoped3A_368 : memref<!tpu.dma_semaphore, #tpu.memory_space<semaphore_mem>>) src(%dma_wait3A_392 : memref<128x64xf32, #tpu.memory_space<vmem>>) dst(%dma_wait3A_388 : memref<128x64xf32, #tpu.memory_space<hbm>>)
      tpu.yield
    }) : () -> ()
    %dma_start3A_286 = arith.constant 1 : i32
    %dma_start3A_287 = arith.constant 0 : i32
    %dma_start3A_288 = arith.constant 0 : i32
    %dma_start3A_289 = tpu.memref_slice %arg6[%dma_start3A_286, %dma_start3A_287, %dma_start3A_288] : memref<2x128x128xf32, #tpu.memory_space<vmem>> -> memref<1x128x128xf32, #tpu.memory_space<vmem>>
    %dma_start3A_290 = tpu.memref_squeeze %dma_start3A_289 : memref<1x128x128xf32, #tpu.memory_space<vmem>> -> memref<128x128xf32, #tpu.memory_space<vmem>>
    %dma_start3A_291 = arith.constant 1664 : i32
    %dma_start3A_292 = tpu.memref_slice %arg5[%dma_start3A_291] : memref<2048xi32, #tpu.memory_space<vmem>> -> memref<128xi32, #tpu.memory_space<vmem>>
    %dma_start3A_293 = arith.constant 0 : i32
    %dma_start3A_294 = arith.constant 0 : i32
    %dma_start3A_295 = tpu.memref_slice %arg2[%dma_start3A_293, %dma_start3A_294] : memref<16384x128xf32, #tpu.memory_space<hbm>> -> memref<16384x128xf32, #tpu.memory_space<hbm>>
    tpu.enqueue_indirect_dma source(%dma_start3A_295 : memref<16384x128xf32, #tpu.memory_space<hbm>>) target(%dma_start3A_290 : memref<128x128xf32, #tpu.memory_space<vmem>>) offsets(%dma_start3A_292 : memref<128xi32, #tpu.memory_space<vmem>>) semaphore(%arg8 : memref<!tpu.dma_semaphore, #tpu.memory_space<semaphore_mem>>)
    %dma_wait3A_296 = arith.constant 0 : i32
    %dma_wait3A_297 = arith.constant 0 : i32
    %dma_wait3A_298 = arith.constant 0 : i32
    %dma_wait3A_299 = tpu.memref_slice %arg6[%dma_wait3A_296, %dma_wait3A_297, %dma_wait3A_298] : memref<2x128x128xf32, #tpu.memory_space<vmem>> -> memref<1x128x128xf32, #tpu.memory_space<vmem>>
    %dma_wait3A_300 = tpu.memref_squeeze %dma_wait3A_299 : memref<1x128x128xf32, #tpu.memory_space<vmem>> -> memref<128x128xf32, #tpu.memory_space<vmem>>
    %dma_wait3A_301 = arith.constant 1536 : i32
    %dma_wait3A_302 = tpu.memref_slice %arg5[%dma_wait3A_301] : memref<2048xi32, #tpu.memory_space<vmem>> -> memref<128xi32, #tpu.memory_space<vmem>>
    %dma_wait3A_303 = arith.constant 0 : i32
    %dma_wait3A_304 = arith.constant 0 : i32
    %dma_wait3A_305 = tpu.memref_slice %arg2[%dma_wait3A_303, %dma_wait3A_304] : memref<16384x128xf32, #tpu.memory_space<hbm>> -> memref<16384x128xf32, #tpu.memory_space<hbm>>
    tpu.wait_indirect_dma semaphore(%arg7 : memref<!tpu.dma_semaphore, #tpu.memory_space<semaphore_mem>>) src(%dma_wait3A_305 : memref<16384x128xf32, #tpu.memory_space<hbm>>) dst(%dma_wait3A_300 : memref<128x128xf32, #tpu.memory_space<vmem>>)
    %add3A_306 = arith.constant 1536 : i32
    %add3A_307 = arith.addi %mul3A_2, %add3A_306 : i32
    %run_scoped3A_308 = arith.constant 0 : i32
    "tpu.region"() ({
      %run_scoped3A_368 = tpu.sem_alloc : memref<!tpu.dma_semaphore, #tpu.memory_space<semaphore_mem>>
      %dma_start3A_369 = arith.constant 0 : i32
      %dma_start3A_370 = arith.constant 0 : i32
      %dma_start3A_371 = tpu.memref_slice %arg6[%run_scoped3A_308, %dma_start3A_369, %dma_start3A_370] : memref<2x128x128xf32, #tpu.memory_space<vmem>> -> memref<1x128x64xf32, #tpu.memory_space<vmem>>
      %dma_start3A_372 = tpu.memref_squeeze %dma_start3A_371 : memref<1x128x64xf32, #tpu.memory_space<vmem>> -> memref<128x64xf32, #tpu.memory_space<vmem>>
      %dma_start3A_373 = arith.constant 0 : i32
      %dma_start3A_374 = tpu.memref_slice %arg4[%add3A_307, %dma_start3A_373] : memref<65536x64xf32, #tpu.memory_space<hbm>> -> memref<128x64xf32, #tpu.memory_space<hbm>>
      %dma_start3A_375 = arith.constant 0 : i32
      %dma_start3A_376 = tpu.memref_slice %arg4[%add3A_307, %dma_start3A_375] : memref<65536x64xf32, #tpu.memory_space<hbm>> -> memref<128x64xf32, #tpu.memory_space<hbm>>
      %dma_start3A_377 = arith.constant 0 : i32
      %dma_start3A_378 = arith.constant 0 : i32
      %dma_start3A_379 = tpu.memref_slice %arg6[%run_scoped3A_308, %dma_start3A_377, %dma_start3A_378] : memref<2x128x128xf32, #tpu.memory_space<vmem>> -> memref<1x128x64xf32, #tpu.memory_space<vmem>>
      %dma_start3A_380 = tpu.memref_squeeze %dma_start3A_379 : memref<1x128x64xf32, #tpu.memory_space<vmem>> -> memref<128x64xf32, #tpu.memory_space<vmem>>
      tpu.enqueue_dma source(%dma_start3A_380 : memref<128x64xf32, #tpu.memory_space<vmem>>) target(%dma_start3A_376 : memref<128x64xf32, #tpu.memory_space<hbm>>) target_semaphore(%run_scoped3A_368 : memref<!tpu.dma_semaphore, #tpu.memory_space<semaphore_mem>>)
      %dma_wait3A_381 = arith.constant 0 : i32
      %dma_wait3A_382 = arith.constant 0 : i32
      %dma_wait3A_383 = tpu.memref_slice %arg6[%run_scoped3A_308, %dma_wait3A_381, %dma_wait3A_382] : memref<2x128x128xf32, #tpu.memory_space<vmem>> -> memref<1x128x64xf32, #tpu.memory_space<vmem>>
      %dma_wait3A_384 = tpu.memref_squeeze %dma_wait3A_383 : memref<1x128x64xf32, #tpu.memory_space<vmem>> -> memref<128x64xf32, #tpu.memory_space<vmem>>
      %dma_wait3A_385 = arith.constant 0 : i32
      %dma_wait3A_386 = tpu.memref_slice %arg4[%add3A_307, %dma_wait3A_385] : memref<65536x64xf32, #tpu.memory_space<hbm>> -> memref<128x64xf32, #tpu.memory_space<hbm>>
      %dma_wait3A_387 = arith.constant 0 : i32
      %dma_wait3A_388 = tpu.memref_slice %arg4[%add3A_307, %dma_wait3A_387] : memref<65536x64xf32, #tpu.memory_space<hbm>> -> memref<128x64xf32, #tpu.memory_space<hbm>>
      %dma_wait3A_389 = arith.constant 0 : i32
      %dma_wait3A_390 = arith.constant 0 : i32
      %dma_wait3A_391 = tpu.memref_slice %arg6[%run_scoped3A_308, %dma_wait3A_389, %dma_wait3A_390] : memref<2x128x128xf32, #tpu.memory_space<vmem>> -> memref<1x128x64xf32, #tpu.memory_space<vmem>>
      %dma_wait3A_392 = tpu.memref_squeeze %dma_wait3A_391 : memref<1x128x64xf32, #tpu.memory_space<vmem>> -> memref<128x64xf32, #tpu.memory_space<vmem>>
      tpu.wait_dma2 semaphore(%run_scoped3A_368 : memref<!tpu.dma_semaphore, #tpu.memory_space<semaphore_mem>>) src(%dma_wait3A_392 : memref<128x64xf32, #tpu.memory_space<vmem>>) dst(%dma_wait3A_388 : memref<128x64xf32, #tpu.memory_space<hbm>>)
      tpu.yield
    }) : () -> ()
    %dma_start3A_309 = arith.constant 0 : i32
    %dma_start3A_310 = arith.constant 0 : i32
    %dma_start3A_311 = arith.constant 0 : i32
    %dma_start3A_312 = tpu.memref_slice %arg6[%dma_start3A_309, %dma_start3A_310, %dma_start3A_311] : memref<2x128x128xf32, #tpu.memory_space<vmem>> -> memref<1x128x128xf32, #tpu.memory_space<vmem>>
    %dma_start3A_313 = tpu.memref_squeeze %dma_start3A_312 : memref<1x128x128xf32, #tpu.memory_space<vmem>> -> memref<128x128xf32, #tpu.memory_space<vmem>>
    %dma_start3A_314 = arith.constant 1792 : i32
    %dma_start3A_315 = tpu.memref_slice %arg5[%dma_start3A_314] : memref<2048xi32, #tpu.memory_space<vmem>> -> memref<128xi32, #tpu.memory_space<vmem>>
    %dma_start3A_316 = arith.constant 0 : i32
    %dma_start3A_317 = arith.constant 0 : i32
    %dma_start3A_318 = tpu.memref_slice %arg2[%dma_start3A_316, %dma_start3A_317] : memref<16384x128xf32, #tpu.memory_space<hbm>> -> memref<16384x128xf32, #tpu.memory_space<hbm>>
    tpu.enqueue_indirect_dma source(%dma_start3A_318 : memref<16384x128xf32, #tpu.memory_space<hbm>>) target(%dma_start3A_313 : memref<128x128xf32, #tpu.memory_space<vmem>>) offsets(%dma_start3A_315 : memref<128xi32, #tpu.memory_space<vmem>>) semaphore(%arg7 : memref<!tpu.dma_semaphore, #tpu.memory_space<semaphore_mem>>)
    %dma_wait3A_319 = arith.constant 1 : i32
    %dma_wait3A_320 = arith.constant 0 : i32
    %dma_wait3A_321 = arith.constant 0 : i32
    %dma_wait3A_322 = tpu.memref_slice %arg6[%dma_wait3A_319, %dma_wait3A_320, %dma_wait3A_321] : memref<2x128x128xf32, #tpu.memory_space<vmem>> -> memref<1x128x128xf32, #tpu.memory_space<vmem>>
    %dma_wait3A_323 = tpu.memref_squeeze %dma_wait3A_322 : memref<1x128x128xf32, #tpu.memory_space<vmem>> -> memref<128x128xf32, #tpu.memory_space<vmem>>
    %dma_wait3A_324 = arith.constant 1664 : i32
    %dma_wait3A_325 = tpu.memref_slice %arg5[%dma_wait3A_324] : memref<2048xi32, #tpu.memory_space<vmem>> -> memref<128xi32, #tpu.memory_space<vmem>>
    %dma_wait3A_326 = arith.constant 0 : i32
    %dma_wait3A_327 = arith.constant 0 : i32
    %dma_wait3A_328 = tpu.memref_slice %arg2[%dma_wait3A_326, %dma_wait3A_327] : memref<16384x128xf32, #tpu.memory_space<hbm>> -> memref<16384x128xf32, #tpu.memory_space<hbm>>
    tpu.wait_indirect_dma semaphore(%arg8 : memref<!tpu.dma_semaphore, #tpu.memory_space<semaphore_mem>>) src(%dma_wait3A_328 : memref<16384x128xf32, #tpu.memory_space<hbm>>) dst(%dma_wait3A_323 : memref<128x128xf32, #tpu.memory_space<vmem>>)
    %add3A_329 = arith.constant 1664 : i32
    %add3A_330 = arith.addi %mul3A_2, %add3A_329 : i32
    %run_scoped3A_331 = arith.constant 1 : i32
    "tpu.region"() ({
      %run_scoped3A_368 = tpu.sem_alloc : memref<!tpu.dma_semaphore, #tpu.memory_space<semaphore_mem>>
      %dma_start3A_369 = arith.constant 0 : i32
      %dma_start3A_370 = arith.constant 0 : i32
      %dma_start3A_371 = tpu.memref_slice %arg6[%run_scoped3A_331, %dma_start3A_369, %dma_start3A_370] : memref<2x128x128xf32, #tpu.memory_space<vmem>> -> memref<1x128x64xf32, #tpu.memory_space<vmem>>
      %dma_start3A_372 = tpu.memref_squeeze %dma_start3A_371 : memref<1x128x64xf32, #tpu.memory_space<vmem>> -> memref<128x64xf32, #tpu.memory_space<vmem>>
      %dma_start3A_373 = arith.constant 0 : i32
      %dma_start3A_374 = tpu.memref_slice %arg4[%add3A_330, %dma_start3A_373] : memref<65536x64xf32, #tpu.memory_space<hbm>> -> memref<128x64xf32, #tpu.memory_space<hbm>>
      %dma_start3A_375 = arith.constant 0 : i32
      %dma_start3A_376 = tpu.memref_slice %arg4[%add3A_330, %dma_start3A_375] : memref<65536x64xf32, #tpu.memory_space<hbm>> -> memref<128x64xf32, #tpu.memory_space<hbm>>
      %dma_start3A_377 = arith.constant 0 : i32
      %dma_start3A_378 = arith.constant 0 : i32
      %dma_start3A_379 = tpu.memref_slice %arg6[%run_scoped3A_331, %dma_start3A_377, %dma_start3A_378] : memref<2x128x128xf32, #tpu.memory_space<vmem>> -> memref<1x128x64xf32, #tpu.memory_space<vmem>>
      %dma_start3A_380 = tpu.memref_squeeze %dma_start3A_379 : memref<1x128x64xf32, #tpu.memory_space<vmem>> -> memref<128x64xf32, #tpu.memory_space<vmem>>
      tpu.enqueue_dma source(%dma_start3A_380 : memref<128x64xf32, #tpu.memory_space<vmem>>) target(%dma_start3A_376 : memref<128x64xf32, #tpu.memory_space<hbm>>) target_semaphore(%run_scoped3A_368 : memref<!tpu.dma_semaphore, #tpu.memory_space<semaphore_mem>>)
      %dma_wait3A_381 = arith.constant 0 : i32
      %dma_wait3A_382 = arith.constant 0 : i32
      %dma_wait3A_383 = tpu.memref_slice %arg6[%run_scoped3A_331, %dma_wait3A_381, %dma_wait3A_382] : memref<2x128x128xf32, #tpu.memory_space<vmem>> -> memref<1x128x64xf32, #tpu.memory_space<vmem>>
      %dma_wait3A_384 = tpu.memref_squeeze %dma_wait3A_383 : memref<1x128x64xf32, #tpu.memory_space<vmem>> -> memref<128x64xf32, #tpu.memory_space<vmem>>
      %dma_wait3A_385 = arith.constant 0 : i32
      %dma_wait3A_386 = tpu.memref_slice %arg4[%add3A_330, %dma_wait3A_385] : memref<65536x64xf32, #tpu.memory_space<hbm>> -> memref<128x64xf32, #tpu.memory_space<hbm>>
      %dma_wait3A_387 = arith.constant 0 : i32
      %dma_wait3A_388 = tpu.memref_slice %arg4[%add3A_330, %dma_wait3A_387] : memref<65536x64xf32, #tpu.memory_space<hbm>> -> memref<128x64xf32, #tpu.memory_space<hbm>>
      %dma_wait3A_389 = arith.constant 0 : i32
      %dma_wait3A_390 = arith.constant 0 : i32
      %dma_wait3A_391 = tpu.memref_slice %arg6[%run_scoped3A_331, %dma_wait3A_389, %dma_wait3A_390] : memref<2x128x128xf32, #tpu.memory_space<vmem>> -> memref<1x128x64xf32, #tpu.memory_space<vmem>>
      %dma_wait3A_392 = tpu.memref_squeeze %dma_wait3A_391 : memref<1x128x64xf32, #tpu.memory_space<vmem>> -> memref<128x64xf32, #tpu.memory_space<vmem>>
      tpu.wait_dma2 semaphore(%run_scoped3A_368 : memref<!tpu.dma_semaphore, #tpu.memory_space<semaphore_mem>>) src(%dma_wait3A_392 : memref<128x64xf32, #tpu.memory_space<vmem>>) dst(%dma_wait3A_388 : memref<128x64xf32, #tpu.memory_space<hbm>>)
      tpu.yield
    }) : () -> ()
    %dma_start3A_332 = arith.constant 1 : i32
    %dma_start3A_333 = arith.constant 0 : i32
    %dma_start3A_334 = arith.constant 0 : i32
    %dma_start3A_335 = tpu.memref_slice %arg6[%dma_start3A_332, %dma_start3A_333, %dma_start3A_334] : memref<2x128x128xf32, #tpu.memory_space<vmem>> -> memref<1x128x128xf32, #tpu.memory_space<vmem>>
    %dma_start3A_336 = tpu.memref_squeeze %dma_start3A_335 : memref<1x128x128xf32, #tpu.memory_space<vmem>> -> memref<128x128xf32, #tpu.memory_space<vmem>>
    %dma_start3A_337 = arith.constant 1920 : i32
    %dma_start3A_338 = tpu.memref_slice %arg5[%dma_start3A_337] : memref<2048xi32, #tpu.memory_space<vmem>> -> memref<128xi32, #tpu.memory_space<vmem>>
    %dma_start3A_339 = arith.constant 0 : i32
    %dma_start3A_340 = arith.constant 0 : i32
    %dma_start3A_341 = tpu.memref_slice %arg2[%dma_start3A_339, %dma_start3A_340] : memref<16384x128xf32, #tpu.memory_space<hbm>> -> memref<16384x128xf32, #tpu.memory_space<hbm>>
    tpu.enqueue_indirect_dma source(%dma_start3A_341 : memref<16384x128xf32, #tpu.memory_space<hbm>>) target(%dma_start3A_336 : memref<128x128xf32, #tpu.memory_space<vmem>>) offsets(%dma_start3A_338 : memref<128xi32, #tpu.memory_space<vmem>>) semaphore(%arg8 : memref<!tpu.dma_semaphore, #tpu.memory_space<semaphore_mem>>)
    %dma_wait3A_342 = arith.constant 0 : i32
    %dma_wait3A_343 = arith.constant 0 : i32
    %dma_wait3A_344 = arith.constant 0 : i32
    %dma_wait3A_345 = tpu.memref_slice %arg6[%dma_wait3A_342, %dma_wait3A_343, %dma_wait3A_344] : memref<2x128x128xf32, #tpu.memory_space<vmem>> -> memref<1x128x128xf32, #tpu.memory_space<vmem>>
    %dma_wait3A_346 = tpu.memref_squeeze %dma_wait3A_345 : memref<1x128x128xf32, #tpu.memory_space<vmem>> -> memref<128x128xf32, #tpu.memory_space<vmem>>
    %dma_wait3A_347 = arith.constant 1792 : i32
    %dma_wait3A_348 = tpu.memref_slice %arg5[%dma_wait3A_347] : memref<2048xi32, #tpu.memory_space<vmem>> -> memref<128xi32, #tpu.memory_space<vmem>>
    %dma_wait3A_349 = arith.constant 0 : i32
    %dma_wait3A_350 = arith.constant 0 : i32
    %dma_wait3A_351 = tpu.memref_slice %arg2[%dma_wait3A_349, %dma_wait3A_350] : memref<16384x128xf32, #tpu.memory_space<hbm>> -> memref<16384x128xf32, #tpu.memory_space<hbm>>
    tpu.wait_indirect_dma semaphore(%arg7 : memref<!tpu.dma_semaphore, #tpu.memory_space<semaphore_mem>>) src(%dma_wait3A_351 : memref<16384x128xf32, #tpu.memory_space<hbm>>) dst(%dma_wait3A_346 : memref<128x128xf32, #tpu.memory_space<vmem>>)
    %add3A_352 = arith.constant 1792 : i32
    %add3A_353 = arith.addi %mul3A_2, %add3A_352 : i32
    %run_scoped3A_354 = arith.constant 0 : i32
    "tpu.region"() ({
      %run_scoped3A_368 = tpu.sem_alloc : memref<!tpu.dma_semaphore, #tpu.memory_space<semaphore_mem>>
      %dma_start3A_369 = arith.constant 0 : i32
      %dma_start3A_370 = arith.constant 0 : i32
      %dma_start3A_371 = tpu.memref_slice %arg6[%run_scoped3A_354, %dma_start3A_369, %dma_start3A_370] : memref<2x128x128xf32, #tpu.memory_space<vmem>> -> memref<1x128x64xf32, #tpu.memory_space<vmem>>
      %dma_start3A_372 = tpu.memref_squeeze %dma_start3A_371 : memref<1x128x64xf32, #tpu.memory_space<vmem>> -> memref<128x64xf32, #tpu.memory_space<vmem>>
      %dma_start3A_373 = arith.constant 0 : i32
      %dma_start3A_374 = tpu.memref_slice %arg4[%add3A_353, %dma_start3A_373] : memref<65536x64xf32, #tpu.memory_space<hbm>> -> memref<128x64xf32, #tpu.memory_space<hbm>>
      %dma_start3A_375 = arith.constant 0 : i32
      %dma_start3A_376 = tpu.memref_slice %arg4[%add3A_353, %dma_start3A_375] : memref<65536x64xf32, #tpu.memory_space<hbm>> -> memref<128x64xf32, #tpu.memory_space<hbm>>
      %dma_start3A_377 = arith.constant 0 : i32
      %dma_start3A_378 = arith.constant 0 : i32
      %dma_start3A_379 = tpu.memref_slice %arg6[%run_scoped3A_354, %dma_start3A_377, %dma_start3A_378] : memref<2x128x128xf32, #tpu.memory_space<vmem>> -> memref<1x128x64xf32, #tpu.memory_space<vmem>>
      %dma_start3A_380 = tpu.memref_squeeze %dma_start3A_379 : memref<1x128x64xf32, #tpu.memory_space<vmem>> -> memref<128x64xf32, #tpu.memory_space<vmem>>
      tpu.enqueue_dma source(%dma_start3A_380 : memref<128x64xf32, #tpu.memory_space<vmem>>) target(%dma_start3A_376 : memref<128x64xf32, #tpu.memory_space<hbm>>) target_semaphore(%run_scoped3A_368 : memref<!tpu.dma_semaphore, #tpu.memory_space<semaphore_mem>>)
      %dma_wait3A_381 = arith.constant 0 : i32
      %dma_wait3A_382 = arith.constant 0 : i32
      %dma_wait3A_383 = tpu.memref_slice %arg6[%run_scoped3A_354, %dma_wait3A_381, %dma_wait3A_382] : memref<2x128x128xf32, #tpu.memory_space<vmem>> -> memref<1x128x64xf32, #tpu.memory_space<vmem>>
      %dma_wait3A_384 = tpu.memref_squeeze %dma_wait3A_383 : memref<1x128x64xf32, #tpu.memory_space<vmem>> -> memref<128x64xf32, #tpu.memory_space<vmem>>
      %dma_wait3A_385 = arith.constant 0 : i32
      %dma_wait3A_386 = tpu.memref_slice %arg4[%add3A_353, %dma_wait3A_385] : memref<65536x64xf32, #tpu.memory_space<hbm>> -> memref<128x64xf32, #tpu.memory_space<hbm>>
      %dma_wait3A_387 = arith.constant 0 : i32
      %dma_wait3A_388 = tpu.memref_slice %arg4[%add3A_353, %dma_wait3A_387] : memref<65536x64xf32, #tpu.memory_space<hbm>> -> memref<128x64xf32, #tpu.memory_space<hbm>>
      %dma_wait3A_389 = arith.constant 0 : i32
      %dma_wait3A_390 = arith.constant 0 : i32
      %dma_wait3A_391 = tpu.memref_slice %arg6[%run_scoped3A_354, %dma_wait3A_389, %dma_wait3A_390] : memref<2x128x128xf32, #tpu.memory_space<vmem>> -> memref<1x128x64xf32, #tpu.memory_space<vmem>>
      %dma_wait3A_392 = tpu.memref_squeeze %dma_wait3A_391 : memref<1x128x64xf32, #tpu.memory_space<vmem>> -> memref<128x64xf32, #tpu.memory_space<vmem>>
      tpu.wait_dma2 semaphore(%run_scoped3A_368 : memref<!tpu.dma_semaphore, #tpu.memory_space<semaphore_mem>>) src(%dma_wait3A_392 : memref<128x64xf32, #tpu.memory_space<vmem>>) dst(%dma_wait3A_388 : memref<128x64xf32, #tpu.memory_space<hbm>>)
      tpu.yield
    }) : () -> ()
    %dma_wait3A_355 = arith.constant 1 : i32
    %dma_wait3A_356 = arith.constant 0 : i32
    %dma_wait3A_357 = arith.constant 0 : i32
    %dma_wait3A_358 = tpu.memref_slice %arg6[%dma_wait3A_355, %dma_wait3A_356, %dma_wait3A_357] : memref<2x128x128xf32, #tpu.memory_space<vmem>> -> memref<1x128x128xf32, #tpu.memory_space<vmem>>
    %dma_wait3A_359 = tpu.memref_squeeze %dma_wait3A_358 : memref<1x128x128xf32, #tpu.memory_space<vmem>> -> memref<128x128xf32, #tpu.memory_space<vmem>>
    %dma_wait3A_360 = arith.constant 1920 : i32
    %dma_wait3A_361 = tpu.memref_slice %arg5[%dma_wait3A_360] : memref<2048xi32, #tpu.memory_space<vmem>> -> memref<128xi32, #tpu.memory_space<vmem>>
    %dma_wait3A_362 = arith.constant 0 : i32
    %dma_wait3A_363 = arith.constant 0 : i32
    %dma_wait3A_364 = tpu.memref_slice %arg2[%dma_wait3A_362, %dma_wait3A_363] : memref<16384x128xf32, #tpu.memory_space<hbm>> -> memref<16384x128xf32, #tpu.memory_space<hbm>>
    tpu.wait_indirect_dma semaphore(%arg8 : memref<!tpu.dma_semaphore, #tpu.memory_space<semaphore_mem>>) src(%dma_wait3A_364 : memref<16384x128xf32, #tpu.memory_space<hbm>>) dst(%dma_wait3A_359 : memref<128x128xf32, #tpu.memory_space<vmem>>)
    %add3A_365 = arith.constant 1920 : i32
    %add3A_366 = arith.addi %mul3A_2, %add3A_365 : i32
    %run_scoped3A_367 = arith.constant 1 : i32
    "tpu.region"() ({
      %run_scoped3A_368 = tpu.sem_alloc : memref<!tpu.dma_semaphore, #tpu.memory_space<semaphore_mem>>
      %dma_start3A_369 = arith.constant 0 : i32
      %dma_start3A_370 = arith.constant 0 : i32
      %dma_start3A_371 = tpu.memref_slice %arg6[%run_scoped3A_367, %dma_start3A_369, %dma_start3A_370] : memref<2x128x128xf32, #tpu.memory_space<vmem>> -> memref<1x128x64xf32, #tpu.memory_space<vmem>>
      %dma_start3A_372 = tpu.memref_squeeze %dma_start3A_371 : memref<1x128x64xf32, #tpu.memory_space<vmem>> -> memref<128x64xf32, #tpu.memory_space<vmem>>
      %dma_start3A_373 = arith.constant 0 : i32
      %dma_start3A_374 = tpu.memref_slice %arg4[%add3A_366, %dma_start3A_373] : memref<65536x64xf32, #tpu.memory_space<hbm>> -> memref<128x64xf32, #tpu.memory_space<hbm>>
      %dma_start3A_375 = arith.constant 0 : i32
      %dma_start3A_376 = tpu.memref_slice %arg4[%add3A_366, %dma_start3A_375] : memref<65536x64xf32, #tpu.memory_space<hbm>> -> memref<128x64xf32, #tpu.memory_space<hbm>>
      %dma_start3A_377 = arith.constant 0 : i32
      %dma_start3A_378 = arith.constant 0 : i32
      %dma_start3A_379 = tpu.memref_slice %arg6[%run_scoped3A_367, %dma_start3A_377, %dma_start3A_378] : memref<2x128x128xf32, #tpu.memory_space<vmem>> -> memref<1x128x64xf32, #tpu.memory_space<vmem>>
      %dma_start3A_380 = tpu.memref_squeeze %dma_start3A_379 : memref<1x128x64xf32, #tpu.memory_space<vmem>> -> memref<128x64xf32, #tpu.memory_space<vmem>>
      tpu.enqueue_dma source(%dma_start3A_380 : memref<128x64xf32, #tpu.memory_space<vmem>>) target(%dma_start3A_376 : memref<128x64xf32, #tpu.memory_space<hbm>>) target_semaphore(%run_scoped3A_368 : memref<!tpu.dma_semaphore, #tpu.memory_space<semaphore_mem>>)
      %dma_wait3A_381 = arith.constant 0 : i32
      %dma_wait3A_382 = arith.constant 0 : i32
      %dma_wait3A_383 = tpu.memref_slice %arg6[%run_scoped3A_367, %dma_wait3A_381, %dma_wait3A_382] : memref<2x128x128xf32, #tpu.memory_space<vmem>> -> memref<1x128x64xf32, #tpu.memory_space<vmem>>
      %dma_wait3A_384 = tpu.memref_squeeze %dma_wait3A_383 : memref<1x128x64xf32, #tpu.memory_space<vmem>> -> memref<128x64xf32, #tpu.memory_space<vmem>>
      %dma_wait3A_385 = arith.constant 0 : i32
      %dma_wait3A_386 = tpu.memref_slice %arg4[%add3A_366, %dma_wait3A_385] : memref<65536x64xf32, #tpu.memory_space<hbm>> -> memref<128x64xf32, #tpu.memory_space<hbm>>
      %dma_wait3A_387 = arith.constant 0 : i32
      %dma_wait3A_388 = tpu.memref_slice %arg4[%add3A_366, %dma_wait3A_387] : memref<65536x64xf32, #tpu.memory_space<hbm>> -> memref<128x64xf32, #tpu.memory_space<hbm>>
      %dma_wait3A_389 = arith.constant 0 : i32
      %dma_wait3A_390 = arith.constant 0 : i32
      %dma_wait3A_391 = tpu.memref_slice %arg6[%run_scoped3A_367, %dma_wait3A_389, %dma_wait3A_390] : memref<2x128x128xf32, #tpu.memory_space<vmem>> -> memref<1x128x64xf32, #tpu.memory_space<vmem>>
      %dma_wait3A_392 = tpu.memref_squeeze %dma_wait3A_391 : memref<1x128x64xf32, #tpu.memory_space<vmem>> -> memref<128x64xf32, #tpu.memory_space<vmem>>
      tpu.wait_dma2 semaphore(%run_scoped3A_368 : memref<!tpu.dma_semaphore, #tpu.memory_space<semaphore_mem>>) src(%dma_wait3A_392 : memref<128x64xf32, #tpu.memory_space<vmem>>) dst(%dma_wait3A_388 : memref<128x64xf32, #tpu.memory_space<hbm>>)
      tpu.yield
    }) : () -> ()
    return
  }
}

module attributes {stable_mosaic.version = 14 : i64} {
  func.func @_score_body(%arg0: i32, %arg1: i32, %arg2: memref<1x4096x64xf32, #tpu.memory_space<vmem>>, %arg3: memref<1x64x1024xf32, #tpu.memory_space<vmem>>, %arg4: memref<1x1x1024xf32, #tpu.memory_space<vmem>>, %arg5: memref<1x4096x1xi32, #tpu.memory_space<vmem>>, %arg6: memref<1x1024x128xf32, #tpu.memory_space<vmem>>, %arg7: memref<1x1xf32, #tpu.memory_space<vmem>>) attributes {dimension_semantics = [#tpu.dimension_semantics<arbitrary>, #tpu.dimension_semantics<arbitrary>], iteration_bounds = array<i64: 16, 1>, scalar_prefetch = 0 : i64, scratch_operands = 0 : i64, tpu.core_type = #tpu.core_type<tc>, window_params = [{transform_indices = @transform_0, window_bounds = array<i64: 1, 4096, 64>}, {transform_indices = @transform_1, window_bounds = array<i64: 1, 64, 1024>}, {transform_indices = @transform_2, window_bounds = array<i64: 1, 1, 1024>}, {transform_indices = @transform_3, window_bounds = array<i64: 1, 4096, 1>}, {transform_indices = @transform_4, window_bounds = array<i64: 1, 1024, 128>}, {pipeline_mode = #tpu.pipeline_mode<synchronous>, transform_indices = @transform_5, window_bounds = array<i64: 1, 1>}]} {
    %get3A = arith.constant 0 : index
    %get3A_0 = arith.constant 0 : index
    %get3A_1 = arith.constant 0 : index
    %get3A_2 = vector.load %arg2[%get3A, %get3A_0, %get3A_1] : memref<1x4096x64xf32, #tpu.memory_space<vmem>>, vector<1x4096x64xf32>
    %get3A_3 = vector.shape_cast %get3A_2 : vector<1x4096x64xf32> to vector<4096x64xf32>
    %get3A_4 = arith.constant 0 : index
    %get3A_5 = arith.constant 0 : index
    %get3A_6 = arith.constant 0 : index
    %get3A_7 = vector.load %arg3[%get3A_4, %get3A_5, %get3A_6] : memref<1x64x1024xf32, #tpu.memory_space<vmem>>, vector<1x64x1024xf32>
    %get3A_8 = vector.shape_cast %get3A_7 : vector<1x64x1024xf32> to vector<64x1024xf32>
    %mul3A = arith.mulf %get3A_3, %get3A_3 : vector<4096x64xf32>
    %reduce_sum3A = arith.constant dense<0.000000e+00> : vector<4096xf32>
    %reduce_sum3A_9 = vector.multi_reduction <add>, %mul3A, %reduce_sum3A [1] : vector<4096x64xf32> to vector<4096xf32>
    %broadcast_in_dim3A = vector.shape_cast %reduce_sum3A_9 : vector<4096xf32> to vector<4096x1xf32>
    %get3A_10 = arith.constant 0 : index
    %get3A_11 = arith.constant 0 : index
    %get3A_12 = arith.constant 0 : index
    %get3A_13 = vector.load %arg4[%get3A_10, %get3A_11, %get3A_12] : memref<1x1x1024xf32, #tpu.memory_space<vmem>>, vector<1x1x1024xf32>
    %get3A_14 = vector.shape_cast %get3A_13 : vector<1x1x1024xf32> to vector<1x1024xf32>
    %add3A = arith.addf %get3A_3, %get3A_3 : vector<4096x64xf32>
    %dot_general3A = arith.constant dense<0.000000e+00> : vector<4096x1024xf32>
    %dot_general3A_15 = tpu.matmul %add3A, %get3A_8, %dot_general3A {dimension_numbers = #tpu.dot_dimension_numbers<[1], [0], [0], [1], [0, 0, 1, 1], [], []>, transpose_lhs_hint = false} : vector<4096x64xf32>, vector<64x1024xf32>, vector<4096x1024xf32> -> vector<4096x1024xf32>
    %sub3A = vector.broadcast %broadcast_in_dim3A : vector<4096x1xf32> to vector<4096x1024xf32>
    %sub3A_16 = arith.subf %sub3A, %dot_general3A_15 : vector<4096x1024xf32>
    %add3A_17 = vector.broadcast %get3A_14 : vector<1x1024xf32> to vector<4096x1024xf32>
    %add3A_18 = arith.addf %sub3A_16, %add3A_17 : vector<4096x1024xf32>
    %reduce_min3A = arith.constant dense<0x7F800000> : vector<4096xf32>
    %reduce_min3A_19 = vector.multi_reduction <minimumf>, %add3A_18, %reduce_min3A [1] : vector<4096x1024xf32> to vector<4096xf32>
    %broadcast_in_dim3A_20 = vector.shape_cast %reduce_min3A_19 : vector<4096xf32> to vector<4096x1xf32>
    %iota3A = tpu.iota {dimensions = array<i32: 1>} : vector<4096x1024xi32>
    %convert_element_type3A = arith.sitofp %iota3A : vector<4096x1024xi32> to vector<4096x1024xf32>
    %eq3A = vector.broadcast %broadcast_in_dim3A_20 : vector<4096x1xf32> to vector<4096x1024xf32>
    %eq3A_21 = arith.cmpf oeq, %add3A_18, %eq3A : vector<4096x1024xf32>
    %jit3A = arith.constant 1.024000e+03 : f32
    %broadcast_in_dim3A_22 = vector.broadcast %jit3A : f32 to vector<4096x1024xf32>
    %select_n3A = arith.select %eq3A_21, %convert_element_type3A, %broadcast_in_dim3A_22 : vector<4096x1024xi1>, vector<4096x1024xf32>
    %reduce_min3A_23 = arith.constant dense<0x7F800000> : vector<4096xf32>
    %reduce_min3A_24 = vector.multi_reduction <minimumf>, %select_n3A, %reduce_min3A_23 [1] : vector<4096x1024xf32> to vector<4096xf32>
    %broadcast_in_dim3A_25 = vector.shape_cast %reduce_min3A_24 : vector<4096xf32> to vector<4096x1xf32>
    %convert_element_type3A_26 = arith.fptosi %broadcast_in_dim3A_25 : vector<4096x1xf32> to vector<4096x1xi32>
    %mul3A_27 = arith.constant 1024 : i32
    %mul3A_28 = arith.muli %arg0, %mul3A_27 : i32
    %add3A_29 = vector.broadcast %mul3A_28 : i32 to vector<4096x1xi32>
    %add3A_30 = arith.addi %convert_element_type3A_26, %add3A_29 : vector<4096x1xi32>
    %swap3A = arith.constant 0 : index
    %swap3A_31 = arith.constant 0 : index
    %swap3A_32 = arith.constant 0 : index
    %swap3A_33 = vector.load %arg5[%swap3A, %swap3A_31, %swap3A_32] : memref<1x4096x1xi32, #tpu.memory_space<vmem>>, vector<1x4096x1xi32>
    %swap3A_34 = vector.shape_cast %swap3A_33 : vector<1x4096x1xi32> to vector<4096x1xi32>
    %swap3A_35 = vector.shape_cast %add3A_30 : vector<4096x1xi32> to vector<1x4096x1xi32>
    tpu.vector_store %arg5[%swap3A, %swap3A_31, %swap3A_32], %swap3A_35 {strides = array<i32>} : memref<1x4096x1xi32, #tpu.memory_space<vmem>>, vector<1x4096x1xi32>,
    %eq3A_36 = arith.constant 0 : i32
    %eq3A_37 = arith.cmpi eq, %arg1, %eq3A_36 : i32
    %convert_element_type3A_38 = arith.extui %eq3A_37 : i1 to i32
    %cond3A = arith.constant 0 : i32
    %cond3A_39 = arith.cmpi ne, %convert_element_type3A_38, %cond3A : i32
    scf.if %cond3A_39 {
      %transpose3A = tpu.transpose %get3A_8, [1, 0] : vector<64x1024xf32> -> vector<1024x64xf32>
      %jit3A_59 = arith.constant 0 : i32
      %convert_element_type3A_60 = arith.sitofp %jit3A_59 : i32 to f32
      %pad3A = vector.broadcast %convert_element_type3A_60 : f32 to vector<1024x64xf32>
      %pad3A_61 = tpu.concatenate %transpose3A, %pad3A in 1 : vector<1024x64xf32>, vector<1024x64xf32> -> vector<1024x128xf32>
      %swap3A_62 = arith.constant 0 : index
      %swap3A_63 = arith.constant 0 : index
      %swap3A_64 = arith.constant 0 : index
      %swap3A_65 = vector.load %arg6[%swap3A_62, %swap3A_63, %swap3A_64] : memref<1x1024x128xf32, #tpu.memory_space<vmem>>, vector<1x1024x128xf32>
      %swap3A_66 = vector.shape_cast %swap3A_65 : vector<1x1024x128xf32> to vector<1024x128xf32>
      %swap3A_67 = vector.shape_cast %pad3A_61 : vector<1024x128xf32> to vector<1x1024x128xf32>
      tpu.vector_store %arg6[%swap3A_62, %swap3A_63, %swap3A_64], %swap3A_67 {strides = array<i32>} : memref<1x1024x128xf32, #tpu.memory_space<vmem>>, vector<1x1024x128xf32>,
    } else {
    }
    %reduce_sum3A_40 = vector.shape_cast %broadcast_in_dim3A_20 : vector<4096x1xf32> to vector<1x4096x1xf32>
    %reduce_sum3A_41 = arith.constant dense<0.000000e+00> : vector<1xf32>
    %reduce_sum3A_42 = vector.multi_reduction <add>, %reduce_sum3A_40, %reduce_sum3A_41 [1, 2] : vector<1x4096x1xf32> to vector<1xf32>
    %reduce_sum3A_43 = vector.shape_cast %reduce_sum3A_42 : vector<1xf32> to vector<1x1x1xf32>
    %reduce_sum3A_44 = vector.extract %reduce_sum3A_43[0, 0, 0] : f32 from vector<1x1x1xf32>
    %reshape3A = vector.broadcast %reduce_sum3A_44 : f32 to vector<1x1xf32>
    %eq3A_45 = arith.constant 0 : i32
    %eq3A_46 = arith.cmpi eq, %arg0, %eq3A_45 : i32
    %eq3A_47 = arith.constant 0 : i32
    %eq3A_48 = arith.cmpi eq, %arg1, %eq3A_47 : i32
    %and3A = arith.andi %eq3A_46, %eq3A_48 : i1
    %convert_element_type3A_49 = arith.extui %and3A : i1 to i32
    %cond3A_50 = arith.constant 0 : i32
    %cond3A_51 = arith.cmpi ne, %convert_element_type3A_49, %cond3A_50 : i32
    scf.if %cond3A_51 {
      %broadcast_in_dim3A_59 = arith.constant 0.000000e+00 : f32
      %broadcast_in_dim3A_60 = vector.broadcast %broadcast_in_dim3A_59 : f32 to vector<1x1xf32>
      %swap3A_61 = arith.constant 0 : index
      %swap3A_62 = arith.constant 0 : index
      %swap3A_63 = vector.load %arg7[%swap3A_61, %swap3A_62] : memref<1x1xf32, #tpu.memory_space<vmem>>, vector<1x1xf32>
      tpu.vector_store %arg7[%swap3A_61, %swap3A_62], %broadcast_in_dim3A_60 {strides = array<i32>} : memref<1x1xf32, #tpu.memory_space<vmem>>, vector<1x1xf32>,
    } else {
    }
    %get3A_52 = arith.constant 0 : index
    %get3A_53 = arith.constant 0 : index
    %get3A_54 = vector.load %arg7[%get3A_52, %get3A_53] : memref<1x1xf32, #tpu.memory_space<vmem>>, vector<1x1xf32>
    %add3A_55 = arith.addf %get3A_54, %reshape3A : vector<1x1xf32>
    %swap3A_56 = arith.constant 0 : index
    %swap3A_57 = arith.constant 0 : index
    %swap3A_58 = vector.load %arg7[%swap3A_56, %swap3A_57] : memref<1x1xf32, #tpu.memory_space<vmem>>, vector<1x1xf32>
    tpu.vector_store %arg7[%swap3A_56, %swap3A_57], %add3A_55 {strides = array<i32>} : memref<1x1xf32, #tpu.memory_space<vmem>>, vector<1x1xf32>,
    return
  }
  func.func @transform_0(%arg0: i32, %arg1: i32) -> (i32, i32, i32) {
    %c0_i32 = arith.constant 0 : i32
    %c0_i32_0 = arith.constant 0 : i32
    return %arg0, %arg1, %c0_i32 : i32, i32, i32
  }
  func.func @transform_1(%arg0: i32, %arg1: i32) -> (i32, i32, i32) {
    %c0_i32 = arith.constant 0 : i32
    %c0_i32_0 = arith.constant 0 : i32
    %c0_i32_1 = arith.constant 0 : i32
    return %arg0, %c0_i32, %c0_i32_0 : i32, i32, i32
  }
  func.func @transform_2(%arg0: i32, %arg1: i32) -> (i32, i32, i32) {
    %c0_i32 = arith.constant 0 : i32
    %c0_i32_0 = arith.constant 0 : i32
    %c0_i32_1 = arith.constant 0 : i32
    return %arg0, %c0_i32, %c0_i32_0 : i32, i32, i32
  }
  func.func @transform_3(%arg0: i32, %arg1: i32) -> (i32, i32, i32) {
    %c0_i32 = arith.constant 0 : i32
    %c0_i32_0 = arith.constant 0 : i32
    return %arg0, %arg1, %c0_i32 : i32, i32, i32
  }
  func.func @transform_4(%arg0: i32, %arg1: i32) -> (i32, i32, i32) {
    %c0_i32 = arith.constant 0 : i32
    %c0_i32_0 = arith.constant 0 : i32
    %c0_i32_1 = arith.constant 0 : i32
    return %arg0, %c0_i32, %c0_i32_0 : i32, i32, i32
  }
  func.func @transform_5(%arg0: i32, %arg1: i32) -> (i32, i32) {
    %c0_i32 = arith.constant 0 : i32
    %c0_i32_0 = arith.constant 0 : i32
    %c0_i32_1 = arith.constant 0 : i32
    return %c0_i32, %c0_i32_0 : i32, i32
  }
}

</mosaic_0001>

<sc_bundles>
// kernel: kernel.4.cloned.1.call-start
scs
__scs_entry_jumppad:
0x0: {  	(pc) =	sbr.rel $0x88, $3  }
0x1: {  	(tag) =	ssettag $0x0;
	lr =	simm.s32 $0x1  }
0x2: {  	[smem:$0x3F9F] =	sst lr;
	_ =	strace $0xD0000000  }
0x3: {  	_ = 	snop  }
0x4: {  	_ = 	snop  }
0x5: {  	_ = 	snop  }
0x6: {  	_ = 	snop  }
0x7: {  	_ = 	snop  }
__scs_overlays_trampoline_lowered:
0x8: {  	[smem:$0x3FAE] =	sst s0  }
0x9: {  	[smem:$0x3FAF] =	sst s1  }
0xa: {  	[smem:$0x3FB0] =	sst s2  }
0xb: {  	[smem:$0x3FB1] =	sst s3  }
0xc: {  	[smem:$0x3FB2] =	sst s4  }
0xd: {  	[smem:$0x3FB3] =	sst s5  }
0xe: {  	[smem:$0x3FB4] =	sst s6  }
0xf: {  	[smem:$0x3FB5] =	sst s7  }
0x10: {  	[smem:$0x3FB6] =	sst s8  }
0x11: {  	[smem:$0x3FB7] =	sst s9;
	s0 =	simm.s32 @!p0 $0x0  }
0x12: {  	s1 =	sld [smem:$0x3F9D];
	s0 =	simm.s32 @p0 $0x1  }
0x13: {  	[smem:$0x3FB8] =	sst s0;
	s0 =	simm.s32 @!p1 $0x0  }
0x14: {  	s2 =	sld [smem:$0x3F9C];
	s0 =	simm.s32 @p1 $0x1  }
0x15: {  	[smem:$0x3FB9] =	sst s0;
	s0 =	simm.s32 @!p2 $0x0  }
0x16: {  	s3 =	sld [smem:$0x3FDB];
	s0 =	simm.s32 @p2 $0x1  }
0x17: {  	s4 =	simm.s32 $0x1BF5;
	[smem:$0x3FBB] =	sst s0  }
0x18: {  	s0 =	sld [smem:$0x3F9E];
	_ =	swait.ge [sflag:s4], $0x0  }
0x19: {  	s7 =	sld [smem:$0x3F9F]  }
0x1a: {  	s8 =	sadd.s32 $0xFFFFE003, lr  }
0x1b: {  	s9 =	sadd.s32 $0xFFFFFEF7, lr;
	s5 =	simm.s32 $0xFFFFFFFF;
	p2 =	slt.u32 s8, $0xFFFFF086  }
0x1c: {  	p1 =	slt.u32 s9, $0xF7A;
	s5 =	simm.s32 @!p2 $0x0  }
0x1d: {  	s5 =	simm.s32 @p1 $0x1;
	p0 =	seq.s32 s7, s2  }
0x1e: {  	s7 =	smul.u32 @!p0 $0xF7A, s2;
	p2 =	seq.s32 @!p0 s5, $0x0  }
0x1f: {  	s9 =	smul.u32 $0xF7A, s1;
	s8 =	simm.s32 @!p0 $0x1BF5;
	p2 =	por !p2, p0  }
0x20: {  	[sflag:s8] =	ssyncset.s32 @!p0 $0xFFFFF086;
	s6 =	sadd.s32 @!p0 s3, s7;
	s7 =	simm.s32 @!p0 $0x108  }
0x21: {  	s3 =	sadd.s32 s3, s9;
	s6 =	sadd.s32 @!p0 $0x88, s6;
	s7 =	simm.s32 @p2 $0x1082  }
0x22: {  	[simem:s7], [sflag:s8] =	dma.local @!p0 [hbm:s6], $0xF7A  }
0x23: {  	s9 =	sor.u32 $0xD0000000, s2;
	s6 =	simm.s32 $0x108;
	_ =	swait.ge @!p0 [sflag:s8], $0x0  }
0x24: {  	s3 =	sadd.s32 $0x88, s3;
	s6 =	simm.s32 @!p1 $0x1082;
	[sflag:s4] =	ssyncset.s32 $0xFFFFF086  }
0x25: {  	[simem:s6], [sflag:s4] =	dma.local [hbm:s3], $0xF7A  }
0x26: {  	[smem:$0x3F9F] =	sst s1;
	(tag) =	ssettag s2;
	_ =	strace s9  }
0x27: {  	s1 =	sld [smem:$0x3FAF]  }
0x28: {  	s2 =	sld [smem:$0x3FB0]  }
0x29: {  	s4 =	sld [smem:$0x3FB2]  }
0x2a: {  	p0 =	seq.s32 s5, $0x0;
	s5 =	sld [smem:$0x3FB3]  }
0x2b: {  	s6 =	sld [smem:$0x3FB4]  }
0x2c: {  	s7 =	sld [smem:$0x3FB5]  }
0x2d: {  	s3 =	simm.s32 $0x108;
	s8 =	sld [smem:$0x3FB6]  }
0x2e: {  	s3 =	simm.s32 @!p0 $0x1082;
	s9 =	sld [smem:$0x3FB7]  }
0x2f: {  	lr =	sadd.s32 s0, s3;
	s0 =	sld [smem:$0x3FAE]  }
0x30: {  	s3 =	sld [smem:$0x3FB1]  }
0x31: {  	[smem:$0x3FBA] =	sst s10  }
0x32: {  	s10 =	sld [smem:$0x3FB8];
	_ =	sdelay $0x3  }
0x33: {  	p0 =	seq.s32 s10, $0x1;
	s10 =	sld [smem:$0x3FBA];
	_ =	sdelay $0x3  }
0x34: {  	[smem:$0x3FBA] =	sst s10  }
0x35: {  	s10 =	sld [smem:$0x3FB9];
	_ =	sdelay $0x3  }
0x36: {  	p1 =	seq.s32 s10, $0x1;
	s10 =	sld [smem:$0x3FBA];
	_ =	sdelay $0x3  }
0x37: {  	[smem:$0x3FBA] =	sst s10  }
0x38: {  	s10 =	sld [smem:$0x3FBB]  }
0x39: {  	_ = 	snop;
	(pc) =	sbr.ind lr, $3  }
0x3a: {  	_ = 	snop  }
0x3b: {  	_ = 	snop  }
0x3c: {  	p2 =	seq.s32 s10, $0x1;
	s10 =	sld [smem:$0x3FBA]  }
0x3d: {  	_ =	shalt  }
0x3e: {  	_ =	shalt  }
0x3f: {  	_ =	shalt  }
0x40: {  	_ =	shalt  }
0x41: {  	_ =	shalt  }
0x42: {  	_ =	shalt  }
0x43: {  	_ =	shalt  }
0x44: {  	_ =	shalt  }
0x45: {  	_ =	shalt  }
0x46: {  	_ =	shalt  }
0x47: {  	_ =	shalt  }
0x48: {  	_ =	shalt  }
0x49: {  	_ =	shalt  }
0x4a: {  	_ =	shalt  }
0x4b: {  	_ =	shalt  }
0x4c: {  	_ =	shalt  }
0x4d: {  	_ =	shalt  }
0x4e: {  	_ =	shalt  }
0x4f: {  	_ =	shalt  }
0x50: {  	_ =	shalt  }
0x51: {  	_ =	shalt  }
0x52: {  	_ =	shalt  }
0x53: {  	_ =	shalt  }
0x54: {  	_ =	shalt  }
0x55: {  	_ =	shalt  }
0x56: {  	_ =	shalt  }
0x57: {  	_ =	shalt  }
0x58: {  	_ =	shalt  }
0x59: {  	_ =	shalt  }
0x5a: {  	_ =	shalt  }
0x5b: {  	_ =	shalt  }
0x5c: {  	_ =	shalt  }
0x5d: {  	_ =	shalt  }
0x5e: {  	_ =	shalt  }
0x5f: {  	_ =	shalt  }
0x60: {  	_ =	shalt  }
0x61: {  	_ =	shalt  }
0x62: {  	_ =	shalt  }
0x63: {  	_ =	shalt  }
0x64: {  	_ =	shalt  }
0x65: {  	_ =	shalt  }
0x66: {  	_ =	shalt  }
0x67: {  	_ =	shalt  }
0x68: {  	_ =	shalt  }
0x69: {  	_ =	shalt  }
0x6a: {  	_ =	shalt  }
0x6b: {  	_ =	shalt  }
0x6c: {  	_ =	shalt  }
0x6d: {  	_ =	shalt  }
0x6e: {  	_ =	shalt  }
0x6f: {  	_ =	shalt  }
0x70: {  	_ =	shalt  }
0x71: {  	_ =	shalt  }
0x72: {  	_ =	shalt  }
0x73: {  	_ =	shalt  }
0x74: {  	_ =	shalt  }
0x75: {  	_ =	shalt  }
0x76: {  	_ =	shalt  }
0x77: {  	_ =	shalt  }
0x78: {  	_ =	shalt  }
0x79: {  	_ =	shalt  }
0x7a: {  	_ =	shalt  }
0x7b: {  	_ =	shalt  }
0x7c: {  	_ =	shalt  }
0x7d: {  	_ =	shalt  }
0x7e: {  	_ =	shalt  }
0x7f: {  	_ =	shalt  }
0x80: {  	_ =	shalt  }
0x81: {  	_ =	shalt  }
0x82: {  	_ =	shalt  }
0x83: {  	_ =	shalt  }
0x84: {  	_ =	shalt  }
0x85: {  	_ =	shalt  }
0x86: {  	_ =	shalt  }
0x87: {  	_ =	shalt  }
.Lfunc_end0:
.L_simem_size_0:
called_computation_lowered:
.L_overlay_start_0:
0x88: {  	s2 =	sld [smem:$0x3FD9]  }
0x89: {  	s3 =	sld [smem:$0x3FFE];
	_ =	sdelay $0x1  }
0x8a: {  	s1 =	srdreg.scid  }
0x8b: {  	s0 =	sand.u32 $0x1, s1  }
0x8c: {  	s14 =	sshll.u32 s0, $0xA;
	s2 =	sadd.s32 s3, s2  }
0x8d: {  	s2 =	sadd.s32 s2, s14  }
0x8e: {  	[smem:$0x3FC6] =	sst s2  }
0x8f: {  	_ = 	snop  }
0x90: {  	s2 =	sld [smem:$0x3FD0];
	_ =	sdelay $0x2  }
0x91: {  	s15 =	simm.s32 $0xA;
	s4 =	simm.s32 $0x10  }
0x92: {  	[smem:s4], [sflag:s15] =	dma.local [hbm:s2], $0x1  }
0x93: {  	_ =	swait.eq [sflag:s15], $0x1  }
0x94: {  	[sflag:s15] =	ssyncset.done $0x0  }
0x95: {  	[sflag:s15] =	ssyncadd.s32 $0xFFFFFFFF  }
0x96: {  	s16 =	sld [smem:$0x10];
	(tm) =	ssettm $0x1  }
0x97: {  	s17 =	sld [smem:$0x3FFB];
	_ =	sdelay $0x3  }
0x98: {  	_ =	strace s17  }
0x99: {  	s3 =	sld [smem:$0x3FFC];
	_ =	sdelay $0x3  }
0x9a: {  	_ =	strace s3  }
0x9b: {  	s3 =	sld [smem:$0x3FFD];
	_ =	sdelay $0x3  }
0x9c: {  	_ =	strace s3  }
0x9d: {  	_ =	strace $0x8FFFFFFF  }
0x9e: {  	s18 =	sld [smem:$0x3FDB];
	_ =	sdelay $0x1  }
0x9f: {  	s19 =	simm.s32 $_scs_section_size  }
0xa0: {  	s5 =	simm.s32 $_size__tile_overlayer_lowered;
	s6 =	simm.s32 $_tile_overlayer_lowered  }
0xa1: {  	s22 =	simm.s32 $0x1BFF;
	s21 =	sshll.u32 s6, $0x1;
	s3 =	sadd.s32 s19, s18  }
0xa2: {  	s7 =	simm.s32 $0x0;
	s20 =	sshll.u32 s5, $0x1;
	s5 =	sadd.s32 s21, s3  }
0xa3: {  	[timem:s7], [sflag:s22] =	dma.local [hbm:s5], s20  }
0xa4: {  	_ =	swait.ge [sflag:s22], s20  }
0xa5: {  	s4 =	ssub.s32 $0x0, s20;
	[sflag:s22] =	ssyncset.done $0x0  }
0xa6: {  	[sflag:s22] =	ssyncadd.s32 s4;
	_ =	sdelay $0x1  }
0xa7: {  	s23 =	simm.s32 $0x1B8B  }
0xa8: {  	_ =	swait.ge [sflag:s23], $0x1  }
0xa9: {  	[sflag:s23] =	ssyncset.done $0x0  }
0xaa: {  	s25 =	simm.s32 $0x1B8E;
	s24 =	sld [smem:$0x3FFE];
	[sflag:s23] =	ssyncadd.s32 $0xFFFFFFFF  }
0xab: {  	s26 =	simm.s32 $execute0_lowered;
	[smem:$0x3FD2] =	sst s25  }
0xac: {  	s5 =	sshll.u32 s26, $0x1;
	_ =	strace $0x80000046;
	[dreg:$0x1] =	wrdreg $0xFFFFFFFF  }
0xad: {  	s28 =	simm.s32 $_size_execute0_lowered;
	s3 =	sadd.s32 s3, s5;
	[dreg:$0x0] =	wrdreg $0x0  }
0xae: {  	s5 =	sshll.u32 s28, $0x1;
	[dreg:$0x2] =	wrdreg s3  }
0xaf: {  	[dreg:$0x3] =	wrdreg s5  }
0xb0: {  	[dreg:$0x4] =	wrdreg $0xC0  }
0xb1: {  	_ =	task [dreg:s7], $0x5FFFF  }
0xb2: {  	[dreg:$0x1] =	wrdreg $0xFFFFFFFF  }
0xb3: {  	[dreg:$0x0] =	wrdreg $0x60  }
0xb4: {  	[dreg:$0x2] =	wrdreg s24  }
0xb5: {  	[dreg:$0x3] =	wrdreg s16  }
0xb6: {  	[dreg:$0x4] =	wrdreg $0x9  }
0xb7: {  	_ =	task.clear_ibuf [dreg:s7], $0x5FFFF;
	_ =	strace $0x90000046  }
0xb8: {  	s29 =	simm.s32 $0x9;
	_ =	strace $0x80000048  }
0xb9: {  	_ =	swait.ge [sflag:s29], $0x1  }
0xba: {  	[sflag:s29] =	ssyncadd.s32 $0xFFFFFFFF  }
0xbb: {  	_ =	strace $0x90000048  }
0xbc: {  	_ =	sfence  }
0xbd: {  	s30 =	sld [smem:$0x0];
	_ =	sdelay $0x2  }
0xbe: {  	s31 =	sshll.u32 s1, $0xD;
	s1 =	sshrl.u32 s1, $0x2  }
0xbf: {  	s3 =	sand.u32 $0x4000, s31;
	s1 =	sadd.s32 s1, s30  }
0xc0: {  	s0 =	sor.u32 s3, s0;
	s1 =	sshll.u32 s1, $0x11  }
0xc1: {  	s0 =	sor.u32 s1, s0  }
0xc2: {  	s0 =	sadd.s32 $0x8F2B, s0  }
0xc3: {  	[sflag:s0] =	ssyncadd.remote.s32 $0x1  }
0xc4: {  	_ =	sfence.sel $0xFFFF  }
0xc5: {  	[dreg:$0x0] =	wrdreg $0xFFFFFFFF;
	(pc) =	sbr.abs _section_cstart, $3  }
0xc6: {  	[dreg:$0x1] =	wrdreg $0xFFFFFFFF  }
0xc7: {  	_ =	task.clear_ibuf [dreg:s7], $0x2FFFF;
	_ =	strace $0x9FFFFFFF  }
0xc8: {  	(tm) =	ssettm $0x7FFFFFFF  }
0xc9: {  	_ =	shalt  }
tec
execute0_lowered:
.L_overlay_start_1:
0x0: {  	(tag) =	ssettag $0x1  }
0x1: {  	s1 =	rddreg [dreg:$0x0]  }
0x2: {  	s0 =	rddreg [dreg:$0x1];
	s2 =	srdreg.scid  }
0x3: {  	s3 =	simm.s32 $0x0;
	s4 =	stileid.u32;
	s22 =	simm.s32 $0x3  }
0x4: {  	s23 =	simm.s32 $0x80;
	s24 =	simm.s32 $0x4800;
	s25 =	simm.s32 $0x1  }
0x5: {  	s28 =	simm.s32 $0x800;
	s29 =	simm.s32 $0x2;
	s2 =	sand.u32 $0x1, s2  }
0x6: {  	[smem:$0x7FF] =	sst s3;
	s4 =	sshll.u32 s4, $0xC;
	s5 =	sshll.u32 s2, $0xB  }
0x7: {  	_ =	strace $0x80000047;
	s2 =	ssub.s32 $0x2, s2;
	s4 =	sor.u32 s5, s4  }
0x8: {  	s6 =	sshrl.u32 s2, $0x1;
	s5 =	sshrl.u32 s4, $0x3;
	s4 =	sshll.u32 s4, $0x3  }
0x9: {  	s31 =	ssub.s32 s2, s6;
	s2 =	simm.s32 $0x0;
	s5 =	sadd.s32 s5, s1  }
0xa: {  	s4 =	sadd.s32 s0, s4;
	s21 =	smax.u32 s31, $0x1;
	s5 =	sadd.s32 $0x40000, s5  }
0xb: {  	s6 =	sadd.s32 $0x400, s4;
	s7 =	sadd.s32 $0x800, s4;
	s8 =	sadd.s32 $0xC00, s4  }
0xc: {  	s9 =	sadd.s32 $0x1000, s4;
	s10 =	sadd.s32 $0x1400, s4;
	s11 =	sadd.s32 $0x1800, s4  }
0xd: {  	s12 =	sadd.s32 $0x1C00, s4;
	s13 =	sadd.s32 $0x2000, s4;
	s14 =	sadd.s32 $0x2400, s4  }
0xe: {  	s15 =	sadd.s32 $0x2800, s4;
	s16 =	sadd.s32 $0x2C00, s4;
	s17 =	sadd.s32 $0x3000, s4  }
0xf: {  	s18 =	sadd.s32 $0x3400, s4;
	s19 =	sadd.s32 $0x3800, s4;
	s20 =	sadd.s32 $0x3C00, s4  }
.LBB2_1:
0x10: {  	[tilespmem:s3], [sflag:$0x3] =	stream.linear.gather [hbm4b:s5+s3], $0x800, $0x38;
	[tilespmem:$0x8800] =	vst v63  }
0x11: {  	_ =	swait.ge [sflag:s22], $0x800  }
0x12: {  	[sflag:s22] =	ssyncset.done $0x0  }
0x13: {  	[sflag:s22] =	ssyncadd.s32 $0xFFFFF800  }
0x14: {  	[tilespmem:s28], [sflag:$0x1] =	stream.indirect.gather [hbm4b:s1+s23], $0x80, s3, s23, $0xb8;
	[tilespmem:$0x8800] =	vst v63  }
0x15: {  	_ = 	snop  }
0x16: {  	[tilespmem:s24], [sflag:$0x2] =	stream.indirect.gather [hbm4b:s1+s23], $0x80, s23, s23, $0xb8;
	[tilespmem:$0x8800] =	vst v63  }
0x17: {  	_ =	swait.ge [sflag:s25], $0x4000  }
0x18: {  	s26 =	simm.s32 $0x8;
	s0 =	sadd.s32 $0x0, s4;
	[sflag:s25] =	ssyncset.done $0x0  }
0x19: {  	s30 =	simm.s32 $0x880;
	s31 =	simm.s32 $0x800;
	[sflag:s25] =	ssyncadd.s32 $0xFFFFC000  }
.LBB2_2:
0x1a: {  	[hbm4b:s0+s3] =	stream.linear.scatter [tilespmem:s31], [sflag:$0x3], $0x40, $0x38;
	[tilespmem:$0x8800] =	vst v63  }
0x1b: {  	s0 =	smov.u32 s26;
	s31 =	smov.u32 s30;
	p0 =	sne.s32 s26, $0x3F8  }
.Ltmp0:
0x1c: {  	s26 =	sadd.s32 $0x8, s26;
	(pc) =	sbr.rel @p0 .LBB2_2-.Ltmp0, $2  }
0x1d: {  	_ =	sdelay $0x2  }
0x1e: {  	s30 =	sadd.s32 $0x80, s30;
	s0 =	sadd.s32 s0, s4  }
0x1f: {  	[hbm4b:s0+s3] =	stream.linear.scatter [tilespmem:s31], [sflag:$0x3], $0x40, $0x38;
	[tilespmem:$0x8800] =	vst v63  }
0x20: {  	_ =	swait.ge [sflag:s22], $0x2000  }
0x21: {  	[sflag:s22] =	ssyncset.done $0x0  }
0x22: {  	s26 =	simm.s32 $0x100;
	[sflag:s22] =	ssyncadd.s32 $0xFFFFE000  }
0x23: {  	[tilespmem:s28], [sflag:$0x1] =	stream.indirect.gather [hbm4b:s1+s23], $0x80, s26, s23, $0xb8;
	[tilespmem:$0x8800] =	vst v63  }
0x24: {  	_ =	swait.ge [sflag:s29], $0x4000  }
0x25: {  	s30 =	simm.s32 $0x8;
	s0 =	sadd.s32 $0x0, s6;
	[sflag:s29] =	ssyncset.done $0x0  }
0x26: {  	s31 =	simm.s32 $0x4880;
	s26 =	simm.s32 $0x4800;
	[sflag:s29] =	ssyncadd.s32 $0xFFFFC000  }
.LBB2_4:
0x27: {  	[hbm4b:s0+s3] =	stream.linear.scatter [tilespmem:s26], [sflag:$0x3], $0x40, $0x38;
	[tilespmem:$0x8800] =	vst v63  }
0x28: {  	s0 =	smov.u32 s30;
	s26 =	smov.u32 s31;
	p0 =	sne.s32 s30, $0x3F8  }
.Ltmp1:
0x29: {  	s30 =	sadd.s32 $0x8, s30;
	(pc) =	sbr.rel @p0 .LBB2_4-.Ltmp1, $2  }
0x2a: {  	_ =	sdelay $0x2  }
0x2b: {  	s31 =	sadd.s32 $0x80, s31;
	s0 =	sadd.s32 s0, s6  }
0x2c: {  	[hbm4b:s0+s3] =	stream.linear.scatter [tilespmem:s26], [sflag:$0x3], $0x40, $0x38;
	[tilespmem:$0x8800] =	vst v63  }
0x2d: {  	_ =	swait.ge [sflag:s22], $0x2000  }
0x2e: {  	[sflag:s22] =	ssyncset.done $0x0  }
0x2f: {  	s26 =	simm.s32 $0x180;
	[sflag:s22] =	ssyncadd.s32 $0xFFFFE000  }
0x30: {  	[tilespmem:s24], [sflag:$0x2] =	stream.indirect.gather [hbm4b:s1+s23], $0x80, s26, s23, $0xb8;
	[tilespmem:$0x8800] =	vst v63  }
0x31: {  	_ =	swait.ge [sflag:s25], $0x4000  }
0x32: {  	s30 =	simm.s32 $0x8;
	s0 =	sadd.s32 $0x0, s7;
	[sflag:s25] =	ssyncset.done $0x0  }
0x33: {  	s31 =	simm.s32 $0x880;
	s26 =	simm.s32 $0x800;
	[sflag:s25] =	ssyncadd.s32 $0xFFFFC000  }
.LBB2_6:
0x34: {  	[hbm4b:s0+s3] =	stream.linear.scatter [tilespmem:s26], [sflag:$0x3], $0x40, $0x38;
	[tilespmem:$0x8800] =	vst v63  }
0x35: {  	s0 =	smov.u32 s30;
	s26 =	smov.u32 s31;
	p0 =	sne.s32 s30, $0x3F8  }
.Ltmp2:
0x36: {  	s30 =	sadd.s32 $0x8, s30;
	(pc) =	sbr.rel @p0 .LBB2_6-.Ltmp2, $2  }
0x37: {  	_ =	sdelay $0x2  }
0x38: {  	s31 =	sadd.s32 $0x80, s31;
	s0 =	sadd.s32 s0, s7  }
0x39: {  	[hbm4b:s0+s3] =	stream.linear.scatter [tilespmem:s26], [sflag:$0x3], $0x40, $0x38;
	[tilespmem:$0x8800] =	vst v63  }
0x3a: {  	_ =	swait.ge [sflag:s22], $0x2000  }
0x3b: {  	[sflag:s22] =	ssyncset.done $0x0  }
0x3c: {  	s26 =	simm.s32 $0x200;
	[sflag:s22] =	ssyncadd.s32 $0xFFFFE000  }
0x3d: {  	[tilespmem:s28], [sflag:$0x1] =	stream.indirect.gather [hbm4b:s1+s23], $0x80, s26, s23, $0xb8;
	[tilespmem:$0x8800] =	vst v63  }
0x3e: {  	_ =	swait.ge [sflag:s29], $0x4000  }
0x3f: {  	s30 =	simm.s32 $0x8;
	s0 =	sadd.s32 $0x0, s8;
	[sflag:s29] =	ssyncset.done $0x0  }
0x40: {  	s31 =	simm.s32 $0x4880;
	s26 =	simm.s32 $0x4800;
	[sflag:s29] =	ssyncadd.s32 $0xFFFFC000  }
.LBB2_8:
0x41: {  	[hbm4b:s0+s3] =	stream.linear.scatter [tilespmem:s26], [sflag:$0x3], $0x40, $0x38;
	[tilespmem:$0x8800] =	vst v63  }
0x42: {  	s0 =	smov.u32 s30;
	s26 =	smov.u32 s31;
	p0 =	sne.s32 s30, $0x3F8  }
.Ltmp3:
0x43: {  	s30 =	sadd.s32 $0x8, s30;
	(pc) =	sbr.rel @p0 .LBB2_8-.Ltmp3, $2  }
0x44: {  	_ =	sdelay $0x2  }
0x45: {  	s31 =	sadd.s32 $0x80, s31;
	s0 =	sadd.s32 s0, s8  }
0x46: {  	[hbm4b:s0+s3] =	stream.linear.scatter [tilespmem:s26], [sflag:$0x3], $0x40, $0x38;
	[tilespmem:$0x8800] =	vst v63  }
0x47: {  	_ =	swait.ge [sflag:s22], $0x2000  }
0x48: {  	[sflag:s22] =	ssyncset.done $0x0  }
0x49: {  	s26 =	simm.s32 $0x280;
	[sflag:s22] =	ssyncadd.s32 $0xFFFFE000  }
0x4a: {  	[tilespmem:s24], [sflag:$0x2] =	stream.indirect.gather [hbm4b:s1+s23], $0x80, s26, s23, $0xb8;
	[tilespmem:$0x8800] =	vst v63  }
0x4b: {  	_ =	swait.ge [sflag:s25], $0x4000  }
0x4c: {  	s30 =	simm.s32 $0x8;
	s0 =	sadd.s32 $0x0, s9;
	[sflag:s25] =	ssyncset.done $0x0  }
0x4d: {  	s31 =	simm.s32 $0x880;
	s26 =	simm.s32 $0x800;
	[sflag:s25] =	ssyncadd.s32 $0xFFFFC000  }
.LBB2_10:
0x4e: {  	[hbm4b:s0+s3] =	stream.linear.scatter [tilespmem:s26], [sflag:$0x3], $0x40, $0x38;
	[tilespmem:$0x8800] =	vst v63  }
0x4f: {  	s0 =	smov.u32 s30;
	s26 =	smov.u32 s31;
	p0 =	sne.s32 s30, $0x3F8  }
.Ltmp4:
0x50: {  	s30 =	sadd.s32 $0x8, s30;
	(pc) =	sbr.rel @p0 .LBB2_10-.Ltmp4, $2  }
0x51: {  	_ =	sdelay $0x2  }
0x52: {  	s31 =	sadd.s32 $0x80, s31;
	s0 =	sadd.s32 s0, s9  }
0x53: {  	[hbm4b:s0+s3] =	stream.linear.scatter [tilespmem:s26], [sflag:$0x3], $0x40, $0x38;
	[tilespmem:$0x8800] =	vst v63  }
0x54: {  	_ =	swait.ge [sflag:s22], $0x2000  }
0x55: {  	[sflag:s22] =	ssyncset.done $0x0  }
0x56: {  	s26 =	simm.s32 $0x300;
	[sflag:s22] =	ssyncadd.s32 $0xFFFFE000  }
0x57: {  	[tilespmem:s28], [sflag:$0x1] =	stream.indirect.gather [hbm4b:s1+s23], $0x80, s26, s23, $0xb8;
	[tilespmem:$0x8800] =	vst v63  }
0x58: {  	_ =	swait.ge [sflag:s29], $0x4000  }
0x59: {  	s30 =	simm.s32 $0x8;
	s0 =	sadd.s32 $0x0, s10;
	[sflag:s29] =	ssyncset.done $0x0  }
0x5a: {  	s31 =	simm.s32 $0x4880;
	s26 =	simm.s32 $0x4800;
	[sflag:s29] =	ssyncadd.s32 $0xFFFFC000  }
.LBB2_12:
0x5b: {  	[hbm4b:s0+s3] =	stream.linear.scatter [tilespmem:s26], [sflag:$0x3], $0x40, $0x38;
	[tilespmem:$0x8800] =	vst v63  }
0x5c: {  	s0 =	smov.u32 s30;
	s26 =	smov.u32 s31;
	p0 =	sne.s32 s30, $0x3F8  }
.Ltmp5:
0x5d: {  	s30 =	sadd.s32 $0x8, s30;
	(pc) =	sbr.rel @p0 .LBB2_12-.Ltmp5, $2  }
0x5e: {  	_ =	sdelay $0x2  }
0x5f: {  	s31 =	sadd.s32 $0x80, s31;
	s0 =	sadd.s32 s0, s10  }
0x60: {  	[hbm4b:s0+s3] =	stream.linear.scatter [tilespmem:s26], [sflag:$0x3], $0x40, $0x38;
	[tilespmem:$0x8800] =	vst v63  }
0x61: {  	_ =	swait.ge [sflag:s22], $0x2000  }
0x62: {  	[sflag:s22] =	ssyncset.done $0x0  }
0x63: {  	s26 =	simm.s32 $0x380;
	[sflag:s22] =	ssyncadd.s32 $0xFFFFE000  }
0x64: {  	[tilespmem:s24], [sflag:$0x2] =	stream.indirect.gather [hbm4b:s1+s23], $0x80, s26, s23, $0xb8;
	[tilespmem:$0x8800] =	vst v63  }
0x65: {  	_ =	swait.ge [sflag:s25], $0x4000  }
0x66: {  	s30 =	simm.s32 $0x8;
	s0 =	sadd.s32 $0x0, s11;
	[sflag:s25] =	ssyncset.done $0x0  }
0x67: {  	s31 =	simm.s32 $0x880;
	s26 =	simm.s32 $0x800;
	[sflag:s25] =	ssyncadd.s32 $0xFFFFC000  }
.LBB2_14:
0x68: {  	[hbm4b:s0+s3] =	stream.linear.scatter [tilespmem:s26], [sflag:$0x3], $0x40, $0x38;
	[tilespmem:$0x8800] =	vst v63  }
0x69: {  	s0 =	smov.u32 s30;
	s26 =	smov.u32 s31;
	p0 =	sne.s32 s30, $0x3F8  }
.Ltmp6:
0x6a: {  	s30 =	sadd.s32 $0x8, s30;
	(pc) =	sbr.rel @p0 .LBB2_14-.Ltmp6, $2  }
0x6b: {  	_ =	sdelay $0x2  }
0x6c: {  	s31 =	sadd.s32 $0x80, s31;
	s0 =	sadd.s32 s0, s11  }
0x6d: {  	[hbm4b:s0+s3] =	stream.linear.scatter [tilespmem:s26], [sflag:$0x3], $0x40, $0x38;
	[tilespmem:$0x8800] =	vst v63  }
0x6e: {  	_ =	swait.ge [sflag:s22], $0x2000  }
0x6f: {  	[sflag:s22] =	ssyncset.done $0x0  }
0x70: {  	s26 =	simm.s32 $0x400;
	[sflag:s22] =	ssyncadd.s32 $0xFFFFE000  }
0x71: {  	[tilespmem:s28], [sflag:$0x1] =	stream.indirect.gather [hbm4b:s1+s23], $0x80, s26, s23, $0xb8;
	[tilespmem:$0x8800] =	vst v63  }
0x72: {  	_ =	swait.ge [sflag:s29], $0x4000  }
0x73: {  	s30 =	simm.s32 $0x8;
	s0 =	sadd.s32 $0x0, s12;
	[sflag:s29] =	ssyncset.done $0x0  }
0x74: {  	s31 =	simm.s32 $0x4880;
	s26 =	simm.s32 $0x4800;
	[sflag:s29] =	ssyncadd.s32 $0xFFFFC000  }
.LBB2_16:
0x75: {  	[hbm4b:s0+s3] =	stream.linear.scatter [tilespmem:s26], [sflag:$0x3], $0x40, $0x38;
	[tilespmem:$0x8800] =	vst v63  }
0x76: {  	s0 =	smov.u32 s30;
	s26 =	smov.u32 s31;
	p0 =	sne.s32 s30, $0x3F8  }
.Ltmp7:
0x77: {  	s30 =	sadd.s32 $0x8, s30;
	(pc) =	sbr.rel @p0 .LBB2_16-.Ltmp7, $2  }
0x78: {  	_ =	sdelay $0x2  }
0x79: {  	s31 =	sadd.s32 $0x80, s31;
	s0 =	sadd.s32 s0, s12  }
0x7a: {  	[hbm4b:s0+s3] =	stream.linear.scatter [tilespmem:s26], [sflag:$0x3], $0x40, $0x38;
	[tilespmem:$0x8800] =	vst v63  }
0x7b: {  	_ =	swait.ge [sflag:s22], $0x2000  }
0x7c: {  	[sflag:s22] =	ssyncset.done $0x0  }
0x7d: {  	s26 =	simm.s32 $0x480;
	[sflag:s22] =	ssyncadd.s32 $0xFFFFE000  }
0x7e: {  	[tilespmem:s24], [sflag:$0x2] =	stream.indirect.gather [hbm4b:s1+s23], $0x80, s26, s23, $0xb8;
	[tilespmem:$0x8800] =	vst v63  }
0x7f: {  	_ =	swait.ge [sflag:s25], $0x4000  }
0x80: {  	s30 =	simm.s32 $0x8;
	s0 =	sadd.s32 $0x0, s13;
	[sflag:s25] =	ssyncset.done $0x0  }
0x81: {  	s31 =	simm.s32 $0x880;
	s26 =	simm.s32 $0x800;
	[sflag:s25] =	ssyncadd.s32 $0xFFFFC000  }
.LBB2_18:
0x82: {  	[hbm4b:s0+s3] =	stream.linear.scatter [tilespmem:s26], [sflag:$0x3], $0x40, $0x38;
	[tilespmem:$0x8800] =	vst v63  }
0x83: {  	s0 =	smov.u32 s30;
	s26 =	smov.u32 s31;
	p0 =	sne.s32 s30, $0x3F8  }
.Ltmp8:
0x84: {  	s30 =	sadd.s32 $0x8, s30;
	(pc) =	sbr.rel @p0 .LBB2_18-.Ltmp8, $2  }
0x85: {  	_ =	sdelay $0x2  }
0x86: {  	s31 =	sadd.s32 $0x80, s31;
	s0 =	sadd.s32 s0, s13  }
0x87: {  	[hbm4b:s0+s3] =	stream.linear.scatter [tilespmem:s26], [sflag:$0x3], $0x40, $0x38;
	[tilespmem:$0x8800] =	vst v63  }
0x88: {  	_ =	swait.ge [sflag:s22], $0x2000  }
0x89: {  	[sflag:s22] =	ssyncset.done $0x0  }
0x8a: {  	s26 =	simm.s32 $0x500;
	[sflag:s22] =	ssyncadd.s32 $0xFFFFE000  }
0x8b: {  	[tilespmem:s28], [sflag:$0x1] =	stream.indirect.gather [hbm4b:s1+s23], $0x80, s26, s23, $0xb8;
	[tilespmem:$0x8800] =	vst v63  }
0x8c: {  	_ =	swait.ge [sflag:s29], $0x4000  }
0x8d: {  	s30 =	simm.s32 $0x8;
	s0 =	sadd.s32 $0x0, s14;
	[sflag:s29] =	ssyncset.done $0x0  }
0x8e: {  	s31 =	simm.s32 $0x4880;
	s26 =	simm.s32 $0x4800;
	[sflag:s29] =	ssyncadd.s32 $0xFFFFC000  }
.LBB2_20:
0x8f: {  	[hbm4b:s0+s3] =	stream.linear.scatter [tilespmem:s26], [sflag:$0x3], $0x40, $0x38;
	[tilespmem:$0x8800] =	vst v63  }
0x90: {  	s0 =	smov.u32 s30;
	s26 =	smov.u32 s31;
	p0 =	sne.s32 s30, $0x3F8  }
.Ltmp9:
0x91: {  	s30 =	sadd.s32 $0x8, s30;
	(pc) =	sbr.rel @p0 .LBB2_20-.Ltmp9, $2  }
0x92: {  	_ =	sdelay $0x2  }
0x93: {  	s31 =	sadd.s32 $0x80, s31;
	s0 =	sadd.s32 s0, s14  }
0x94: {  	[hbm4b:s0+s3] =	stream.linear.scatter [tilespmem:s26], [sflag:$0x3], $0x40, $0x38;
	[tilespmem:$0x8800] =	vst v63  }
0x95: {  	_ =	swait.ge [sflag:s22], $0x2000  }
0x96: {  	[sflag:s22] =	ssyncset.done $0x0  }
0x97: {  	s26 =	simm.s32 $0x580;
	[sflag:s22] =	ssyncadd.s32 $0xFFFFE000  }
0x98: {  	[tilespmem:s24], [sflag:$0x2] =	stream.indirect.gather [hbm4b:s1+s23], $0x80, s26, s23, $0xb8;
	[tilespmem:$0x8800] =	vst v63  }
0x99: {  	_ =	swait.ge [sflag:s25], $0x4000  }
0x9a: {  	s30 =	simm.s32 $0x8;
	s0 =	sadd.s32 $0x0, s15;
	[sflag:s25] =	ssyncset.done $0x0  }
0x9b: {  	s31 =	simm.s32 $0x880;
	s26 =	simm.s32 $0x800;
	[sflag:s25] =	ssyncadd.s32 $0xFFFFC000  }
.LBB2_22:
0x9c: {  	[hbm4b:s0+s3] =	stream.linear.scatter [tilespmem:s26], [sflag:$0x3], $0x40, $0x38;
	[tilespmem:$0x8800] =	vst v63  }
0x9d: {  	s0 =	smov.u32 s30;
	s26 =	smov.u32 s31;
	p0 =	sne.s32 s30, $0x3F8  }
.Ltmp10:
0x9e: {  	s30 =	sadd.s32 $0x8, s30;
	(pc) =	sbr.rel @p0 .LBB2_22-.Ltmp10, $2  }
0x9f: {  	_ =	sdelay $0x2  }
0xa0: {  	s31 =	sadd.s32 $0x80, s31;
	s0 =	sadd.s32 s0, s15  }
0xa1: {  	[hbm4b:s0+s3] =	stream.linear.scatter [tilespmem:s26], [sflag:$0x3], $0x40, $0x38;
	[tilespmem:$0x8800] =	vst v63  }
0xa2: {  	_ =	swait.ge [sflag:s22], $0x2000  }
0xa3: {  	[sflag:s22] =	ssyncset.done $0x0  }
0xa4: {  	s26 =	simm.s32 $0x600;
	[sflag:s22] =	ssyncadd.s32 $0xFFFFE000  }
0xa5: {  	[tilespmem:s28], [sflag:$0x1] =	stream.indirect.gather [hbm4b:s1+s23], $0x80, s26, s23, $0xb8;
	[tilespmem:$0x8800] =	vst v63  }
0xa6: {  	_ =	swait.ge [sflag:s29], $0x4000  }
0xa7: {  	s30 =	simm.s32 $0x8;
	s0 =	sadd.s32 $0x0, s16;
	[sflag:s29] =	ssyncset.done $0x0  }
0xa8: {  	s31 =	simm.s32 $0x4880;
	s26 =	simm.s32 $0x4800;
	[sflag:s29] =	ssyncadd.s32 $0xFFFFC000  }
.LBB2_24:
0xa9: {  	[hbm4b:s0+s3] =	stream.linear.scatter [tilespmem:s26], [sflag:$0x3], $0x40, $0x38;
	[tilespmem:$0x8800] =	vst v63  }
0xaa: {  	s0 =	smov.u32 s30;
	s26 =	smov.u32 s31;
	p0 =	sne.s32 s30, $0x3F8  }
.Ltmp11:
0xab: {  	s30 =	sadd.s32 $0x8, s30;
	(pc) =	sbr.rel @p0 .LBB2_24-.Ltmp11, $2  }
0xac: {  	_ =	sdelay $0x2  }
0xad: {  	s31 =	sadd.s32 $0x80, s31;
	s0 =	sadd.s32 s0, s16  }
0xae: {  	[hbm4b:s0+s3] =	stream.linear.scatter [tilespmem:s26], [sflag:$0x3], $0x40, $0x38;
	[tilespmem:$0x8800] =	vst v63  }
0xaf: {  	_ =	swait.ge [sflag:s22], $0x2000  }
0xb0: {  	[sflag:s22] =	ssyncset.done $0x0  }
0xb1: {  	s26 =	simm.s32 $0x680;
	[sflag:s22] =	ssyncadd.s32 $0xFFFFE000  }
0xb2: {  	[tilespmem:s24], [sflag:$0x2] =	stream.indirect.gather [hbm4b:s1+s23], $0x80, s26, s23, $0xb8;
	[tilespmem:$0x8800] =	vst v63  }
0xb3: {  	_ =	swait.ge [sflag:s25], $0x4000  }
0xb4: {  	s30 =	simm.s32 $0x8;
	s0 =	sadd.s32 $0x0, s17;
	[sflag:s25] =	ssyncset.done $0x0  }
0xb5: {  	s31 =	simm.s32 $0x880;
	s26 =	simm.s32 $0x800;
	[sflag:s25] =	ssyncadd.s32 $0xFFFFC000  }
.LBB2_26:
0xb6: {  	[hbm4b:s0+s3] =	stream.linear.scatter [tilespmem:s26], [sflag:$0x3], $0x40, $0x38;
	[tilespmem:$0x8800] =	vst v63  }
0xb7: {  	s0 =	smov.u32 s30;
	s26 =	smov.u32 s31;
	p0 =	sne.s32 s30, $0x3F8  }
.Ltmp12:
0xb8: {  	s30 =	sadd.s32 $0x8, s30;
	(pc) =	sbr.rel @p0 .LBB2_26-.Ltmp12, $2  }
0xb9: {  	_ =	sdelay $0x2  }
0xba: {  	s31 =	sadd.s32 $0x80, s31;
	s0 =	sadd.s32 s0, s17  }
0xbb: {  	[hbm4b:s0+s3] =	stream.linear.scatter [tilespmem:s26], [sflag:$0x3], $0x40, $0x38;
	[tilespmem:$0x8800] =	vst v63  }
0xbc: {  	_ =	swait.ge [sflag:s22], $0x2000  }
0xbd: {  	[sflag:s22] =	ssyncset.done $0x0  }
0xbe: {  	s26 =	simm.s32 $0x700;
	[sflag:s22] =	ssyncadd.s32 $0xFFFFE000  }
0xbf: {  	[tilespmem:s28], [sflag:$0x1] =	stream.indirect.gather [hbm4b:s1+s23], $0x80, s26, s23, $0xb8;
	[tilespmem:$0x8800] =	vst v63  }
0xc0: {  	_ =	swait.ge [sflag:s29], $0x4000  }
0xc1: {  	s30 =	simm.s32 $0x8;
	s0 =	sadd.s32 $0x0, s18;
	[sflag:s29] =	ssyncset.done $0x0  }
0xc2: {  	s31 =	simm.s32 $0x4880;
	s26 =	simm.s32 $0x4800;
	[sflag:s29] =	ssyncadd.s32 $0xFFFFC000  }
.LBB2_28:
0xc3: {  	[hbm4b:s0+s3] =	stream.linear.scatter [tilespmem:s26], [sflag:$0x3], $0x40, $0x38;
	[tilespmem:$0x8800] =	vst v63  }
0xc4: {  	s0 =	smov.u32 s30;
	s26 =	smov.u32 s31;
	p0 =	sne.s32 s30, $0x3F8  }
.Ltmp13:
0xc5: {  	s30 =	sadd.s32 $0x8, s30;
	(pc) =	sbr.rel @p0 .LBB2_28-.Ltmp13, $2  }
0xc6: {  	_ =	sdelay $0x2  }
0xc7: {  	s31 =	sadd.s32 $0x80, s31;
	s0 =	sadd.s32 s0, s18  }
0xc8: {  	[hbm4b:s0+s3] =	stream.linear.scatter [tilespmem:s26], [sflag:$0x3], $0x40, $0x38;
	[tilespmem:$0x8800] =	vst v63  }
0xc9: {  	_ =	swait.ge [sflag:s22], $0x2000  }
0xca: {  	[sflag:s22] =	ssyncset.done $0x0  }
0xcb: {  	s26 =	simm.s32 $0x780;
	[sflag:s22] =	ssyncadd.s32 $0xFFFFE000  }
0xcc: {  	[tilespmem:s24], [sflag:$0x2] =	stream.indirect.gather [hbm4b:s1+s23], $0x80, s26, s23, $0xb8;
	[tilespmem:$0x8800] =	vst v63  }
0xcd: {  	_ =	swait.ge [sflag:s25], $0x4000  }
0xce: {  	s30 =	simm.s32 $0x8;
	s0 =	sadd.s32 $0x0, s19;
	[sflag:s25] =	ssyncset.done $0x0  }
0xcf: {  	s31 =	simm.s32 $0x880;
	s26 =	simm.s32 $0x800;
	[sflag:s25] =	ssyncadd.s32 $0xFFFFC000  }
.LBB2_30:
0xd0: {  	[hbm4b:s0+s3] =	stream.linear.scatter [tilespmem:s26], [sflag:$0x3], $0x40, $0x38;
	[tilespmem:$0x8800] =	vst v63  }
0xd1: {  	s0 =	smov.u32 s30;
	s26 =	smov.u32 s31;
	p0 =	sne.s32 s30, $0x3F8  }
.Ltmp14:
0xd2: {  	s30 =	sadd.s32 $0x8, s30;
	(pc) =	sbr.rel @p0 .LBB2_30-.Ltmp14, $2  }
0xd3: {  	_ =	sdelay $0x2  }
0xd4: {  	s31 =	sadd.s32 $0x80, s31;
	s0 =	sadd.s32 s0, s19  }
0xd5: {  	[hbm4b:s0+s3] =	stream.linear.scatter [tilespmem:s26], [sflag:$0x3], $0x40, $0x38;
	[tilespmem:$0x8800] =	vst v63  }
0xd6: {  	_ =	swait.ge [sflag:s22], $0x2000  }
0xd7: {  	[sflag:s22] =	ssyncset.done $0x0  }
0xd8: {  	[sflag:s22] =	ssyncadd.s32 $0xFFFFE000  }
0xd9: {  	_ =	swait.ge [sflag:s29], $0x4000  }
0xda: {  	s26 =	simm.s32 $0x4800;
	s30 =	simm.s32 $0x8;
	[sflag:s29] =	ssyncset.done $0x0  }
0xdb: {  	s0 =	sadd.s32 $0x0, s20;
	s31 =	simm.s32 $0x4880;
	[sflag:s29] =	ssyncadd.s32 $0xFFFFC000  }
.LBB2_32:
0xdc: {  	[hbm4b:s0+s3] =	stream.linear.scatter [tilespmem:s26], [sflag:$0x3], $0x40, $0x38;
	[tilespmem:$0x8800] =	vst v63  }
0xdd: {  	s0 =	smov.u32 s30;
	s26 =	smov.u32 s31;
	p0 =	sne.s32 s30, $0x3F8  }
.Ltmp15:
0xde: {  	s30 =	sadd.s32 $0x8, s30;
	(pc) =	sbr.rel @p0 .LBB2_32-.Ltmp15, $2  }
0xdf: {  	_ =	sdelay $0x2  }
0xe0: {  	s31 =	sadd.s32 $0x80, s31;
	s0 =	sadd.s32 s0, s20  }
0xe1: {  	s2 =	sadd.s32 $0x1, s2  }
0xe2: {  	p0 =	sne.s32 s2, s21  }
.Ltmp16:
0xe3: {  	_ = 	snop;
	(pc) =	sbr.rel @p0 .LBB2_1-.Ltmp16, $4  }
0xe4: {  	[hbm4b:s0+s3] =	stream.linear.scatter [tilespmem:s26], [sflag:$0x3], $0x40, $0x38;
	[tilespmem:$0x8800] =	vst v63  }
0xe5: {  	_ =	swait.ge [sflag:s22], $0x2000  }
0xe6: {  	[sflag:s22] =	ssyncset.done $0x0  }
0xe7: {  	[sflag:s22] =	ssyncadd.s32 $0xFFFFE000  }
0xe8: {  	_ =	sfence.sel $0x180000  }
0xe9: {  	[bflag:$0x0] =	sbarrier.arrive $0xFFFF  }
0xea: {  	_ =	strace $0x90000047  }
0xeb: {  	s0 =	stileid.u32;
	[bflag:$0x2] =	sbarrier.arrive $0xFFFF  }
0xec: {  	p0 =	sne.s32 s0, $0x0;
	s0 =	rddreg [dreg:$0x2]  }
0xed: {  	s0 =	sadd.s32 @!p0 $0x100000, s0  }
0xee: {  	[sflag:s0] =	ssyncadd.tile.s32 @!p0 $0x1;
	_ =	shalt  }
.Lfunc_end2:
_tile_overlayer_lowered:
.L_overlay_start_2:
0xef: {  	(tag) =	ssettag $0x2  }
0xf0: {  	s0 =	rddreg [dreg:$0x0];
	s2 =	stileid.u32  }
0xf1: {  	s1 =	rddreg [dreg:$0x1];
	p0 =	sne.s32 s2, $0x0  }
0xf2: {  	s3 =	rddreg [dreg:$0x2];
	[bflag:$0x3] =	sbarrier.arrive $0xFFFF;
	s2 =	simm.s32 @!p0 $0x1C03  }
0xf3: {  	[timem:s3], [sflag:s2] =	dma.local @!p0 [hbm:s0], s1  }
0xf4: {  	s0 =	simm.s32 @!p0 $0x3  }
0xf5: {  	_ =	swait.ge @!p0 [sflag:s0], s1  }
0xf6: {  	s1 =	ssub.s32 @!p0 $0x0, s1;
	[sflag:s0] =	ssyncset.done @!p0 $0x0  }
0xf7: {  	[sflag:s0] =	ssyncadd.s32 @!p0 s1  }
0xf8: {  	[bflag:$0x3] =	sbarrier.arrive $0xFFFF  }
0xf9: {  	_ =	shalt  }

</sc_bundles>
